<compile_context>
chip_gen: v7x
topology: tpu7x:2x2x1
jax: 0.10.2.dev20260603
libtpu: 0.0.44.dev20260713+nightly
codegen_flags: <defaults>
</compile_context>

<pallas_src>
import functools

import jax
import jax.numpy as jnp
from jax import lax
from jax.experimental import pallas as pl
from jax.experimental.pallas import tpu as pltpu
from jax.experimental.pallas import tpu_sc as plsc

K = 9
GROUPS = 4


_BN = 448


def _knn_body(xr_ref, xc_ref, idx_ref):
    b = pl.program_id(0)
    n = xc_ref.shape[2]
    xc = xc_ref[0]
    sqc = jnp.sum(xc * xc, axis=0, keepdims=True)
    xcn = xc / jnp.maximum(jnp.sqrt(sqc), 1e-12)
    sqc_n = jnp.sum(xcn * xcn, axis=0)

    xr = xr_ref[0]
    sqr = jnp.sum(xr * xr, axis=1, keepdims=True)
    xrn = xr / jnp.maximum(jnp.sqrt(sqr), 1e-12)
    sqr_n = jnp.sum(xrn * xrn, axis=1, keepdims=True)

    inner = jnp.dot(xrn, xcn, preferred_element_type=jnp.float32)
    dist = sqr_n + (-2.0 * inner) + sqc_n[None, :]

    iota = lax.broadcasted_iota(jnp.int32, (_BN, n), 1)
    big = jnp.float32(3.0e38)
    cols = []
    for _ in range(K):
        m = jnp.min(dist, axis=1, keepdims=True)
        cand = jnp.where(dist == m, iota, n)
        idx = jnp.min(cand, axis=1)
        cols.append(idx)
        dist = jnp.where(cand == idx[:, None], big, dist)
    idx_ref[0] = jnp.stack(cols, axis=1) + b * n


def _knn_topk(xt, xc):
    b, n, c = xt.shape
    return pl.pallas_call(
        _knn_body,
        grid=(b, n // _BN),
        in_specs=[
            pl.BlockSpec((1, _BN, c), lambda i, j: (i, j, 0)),
            pl.BlockSpec((1, c, n), lambda i, j: (i, 0, 0)),
        ],
        out_specs=pl.BlockSpec((1, _BN, K), lambda i, j: (i, j, 0)),
        out_shape=jax.ShapeDtypeStruct((b, n, K), jnp.int32),
    )(xt, xc)



_NW = 32
_GR = 8


def _sc_maxdiff_body(rows_per_w, table_hbm, tpad_hbm, idx_hbm, out_hbm,
                     idx_v, ctr_v, out_v, rows0, sem0):
    wid = lax.axis_index("s") * 2 + lax.axis_index("c")
    base = wid * rows_per_w
    ng = rows_per_w // _GR
    pltpu.sync_copy(idx_hbm.at[pl.ds(base * K, rows_per_w * K)], idx_v)
    pltpu.sync_copy(table_hbm.at[pl.ds(base, rows_per_w)], ctr_v)

    def chunk_body(g, _):
        pltpu.async_copy(
            tpad_hbm.at[idx_v.at[pl.ds(g * (_GR * K), _GR * K)]],
            rows0, sem0).wait()

        def row_body(r, _):
            rr = g * _GR + r
            for cc in range(6):
                sl = pl.ds(cc * 16, 16)
                v = rows0[r * K, sl]
                for k in range(1, K):
                    v = jnp.maximum(v, rows0[r * K + k, sl])
                out_v[rr, sl] = v - ctr_v[rr, sl]
            return 0

        lax.fori_loop(0, _GR, row_body, 0)
        return 0

    lax.fori_loop(0, ng, chunk_body, 0)
    pltpu.sync_copy(out_v, out_hbm.at[pl.ds(base, rows_per_w)])


def _sc_maxdiff(table, table_pad, idx_flat):
    bn, c = table.shape
    cp = table_pad.shape[1]
    rows_per_w = bn // _NW
    mesh = plsc.VectorSubcoreMesh(core_axis_name="c", subcore_axis_name="s")
    kern = pl.kernel(
        functools.partial(_sc_maxdiff_body, rows_per_w),
        mesh=mesh,
        out_type=jax.ShapeDtypeStruct((bn, c), jnp.float32),
        scratch_types=[
            pltpu.VMEM((rows_per_w * K,), jnp.int32),
            pltpu.VMEM((rows_per_w, c), jnp.float32),
            pltpu.VMEM((rows_per_w, c), jnp.float32),
            pltpu.VMEM((_GR * K, cp), jnp.float32),
            pltpu.SemaphoreType.DMA,
        ],
    )
    return kern(table, table_pad, idx_flat)




def _conv_body(xt_ref, md_ref, wx_ref, wm_ref, b_ref, out_ref):
    acc = jnp.dot(xt_ref[0], wx_ref[...], preferred_element_type=jnp.float32)
    acc = acc + jnp.dot(md_ref[0], wm_ref[...], preferred_element_type=jnp.float32)
    out_ref[0] = jnp.maximum(acc + b_ref[...], 0.0)


def _conv_relu(xt, md, wx, wm, bias):
    b, n, c = xt.shape
    cout = wx.shape[1]
    return pl.pallas_call(
        _conv_body,
        grid=(b,),
        in_specs=[
            pl.BlockSpec((1, n, c), lambda i: (i, 0, 0)),
            pl.BlockSpec((1, n, c), lambda i: (i, 0, 0)),
            pl.BlockSpec((c, cout), lambda i: (0, 0)),
            pl.BlockSpec((c, cout), lambda i: (0, 0)),
            pl.BlockSpec((1, cout), lambda i: (0, 0)),
        ],
        out_specs=pl.BlockSpec((1, n, cout), lambda i: (i, 0, 0)),
        out_shape=jax.ShapeDtypeStruct((b, n, cout), jnp.float32),
    )(xt, md, wx, wm, bias)




def kernel(x, w, b):
    B, C, H, W = x.shape
    N = H * W
    cout = w.shape[0]

    xc = x.reshape(B, C, N)
    xt = jnp.transpose(xc, (0, 2, 1))

    gidx = _knn_topk(xt, xc)
    table = xt.reshape(B * N, C)
    table_pad = jnp.pad(table, ((0, 0), (0, (-C) % 128)))
    md = _sc_maxdiff(table, table_pad, gidx.reshape(-1))

    cpg = C // GROUPS
    opg = cout // GROUPS
    wg = w[:, :, 0, 0].reshape(GROUPS, opg, 2 * cpg)
    wx_g = wg[:, :, 0::2]
    wm_g = wg[:, :, 1::2]
    wx_full = jnp.zeros((C, cout), jnp.float32)
    wm_full = jnp.zeros((C, cout), jnp.float32)
    for g in range(GROUPS):
        wx_full = wx_full.at[g * cpg:(g + 1) * cpg, g * opg:(g + 1) * opg].set(
            jnp.transpose(wx_g[g]))
        wm_full = wm_full.at[g * cpg:(g + 1) * cpg, g * opg:(g + 1) * opg].set(
            jnp.transpose(wm_g[g]))

    out_t = _conv_relu(xt, md.reshape(B, N, C), wx_full, wm_full,
                       b.reshape(1, cout))
    return jnp.transpose(out_t, (0, 2, 1)).reshape(B, cout, H, W)

# --- scband reference (transcript-rebuilt; emitter-appended) ---
"""Pipeline reference for scband-dy-graph-conv2d-11922829214268 (READ-ONLY COPY).

The authoritative reference and input builder live on the scoring server;
editing this copy changes nothing except your own understanding.
"""

import jax, jax.numpy as jnp
import numpy as np

K = 9
GROUPS = 4

def grouped_conv1x1(x, w, b):
    B, Cin, N, _ = x.shape
    Cout = w.shape[0]
    xg = x[:, :, :, 0].reshape(B, GROUPS, Cin // GROUPS, N)
    wg = w[:, :, 0, 0].reshape(GROUPS, Cout // GROUPS, Cin // GROUPS)
    out = jnp.einsum('bgcn,goc->bgon', xg, wg)
    out = out.reshape(B, Cout, N, 1)
    return out + b.reshape(1, Cout, 1, 1)

def batched_index_select(x, idx):
    # x: (B, C, N, 1), idx: (B, N, k) -> (B, C, N, k)
    B = x.shape[0]
    xt = x[:, :, :, 0]
    bsel = jnp.arange(B)[:, None, None]
    feat = xt[bsel, :, idx]  # (B, N, k, C)
    return jnp.transpose(feat, (0, 3, 1, 2))

def dense_knn(xn):
    # xn: (B, C, N, 1), L2-normalized over channel dim
    xt = jnp.transpose(xn[:, :, :, 0], (0, 2, 1))  # (B, N, C)
    inner = -2.0 * jnp.matmul(xt, jnp.transpose(xt, (0, 2, 1)))
    sq = jnp.sum(xt * xt, axis=-1, keepdims=True)
    dist = sq + inner + jnp.transpose(sq, (0, 2, 1))
    _, nn_idx = jax.lax.top_k(-dist, K)
    B, N, _ = dist.shape
    center = jnp.broadcast_to(jnp.arange(N)[None, :, None], (B, N, K))
    return jnp.stack([nn_idx, center], axis=0)

def setup_inputs(seed: int = 0):
    key = jax.random.key(seed)
    k1, k2, k3 = jax.random.split(key, 3)
    x = jax.random.normal(k1, (4, 96, 56, 56), dtype=jnp.float32)
    w = jax.random.normal(k2, (192, 48, 1, 1), dtype=jnp.float32) * 0.05
    b = jax.random.normal(k3, (192,), dtype=jnp.float32) * 0.05
    return {"x": x, "w": w, "b": b}

def reference(x, w, b):
    B, C, H, W = x.shape
    N = H * W
    xr = x.reshape(B, C, N, 1)
    # KNN graph construction is under no_grad in torch -> stop_gradient here
    xs = jax.lax.stop_gradient(xr)
    xn = xs / jnp.maximum(jnp.linalg.norm(xs, axis=1, keepdims=True), 1e-12)
    edge_index = dense_knn(xn)  # (2, B, N, K); dilation=1 -> identity slice
    # MRConv2d
    x_i = batched_index_select(xr, edge_index[1])
    x_j = batched_index_select(xr, edge_index[0])
    x_j = jnp.max(x_j - x_i, axis=-1, keepdims=True)  # (B, C, N, 1)
    xc = jnp.concatenate([xr[:, :, None], x_j[:, :, None]], axis=2).reshape(B, 2 * C, N, 1)
    out = jax.nn.relu(grouped_conv1x1(xc, w, b))
    return out.reshape(B, -1, H, W)

if __name__ == "__main__":
    import jax
    _d = setup_inputs()
    print(jax.jit(kernel)(*tuple(_d.values())))

</pallas_src>

<mosaic_0001>
#map = affine_map<(d0, d1) -> (0, 0)>
#map1 = affine_map<(d0, d1) -> (0)>
module attributes {stable_mosaic.version = 14 : i64} {
  func.func @_sc_maxdiff_body(%arg0: i32, %arg1: i32, %arg2: memref<12544x96xf32, #tpu.memory_space<hbm>>, %arg3: memref<12544x128xf32, #tpu.memory_space<hbm>>, %arg4: memref<112896xi32, #tpu.memory_space<hbm>>, %arg5: memref<12544x96xf32, #tpu.memory_space<hbm>>, %arg6: memref<3528xi32, #tpu.memory_space<vmem>>, %arg7: memref<392x96xf32, #tpu.memory_space<vmem>>, %arg8: memref<392x96xf32, #tpu.memory_space<vmem>>, %arg9: memref<72x128xf32, #tpu.memory_space<vmem>>, %arg10: memref<!tpu.dma_semaphore, #tpu.memory_space<semaphore_mem>>) attributes {dimension_semantics = [#tpu.dimension_semantics<core_parallel>, #tpu.dimension_semantics<subcore_parallel>], iteration_bounds = array<i64: 2, 16>, scalar_prefetch = 0 : i64, scratch_operands = 5 : i64, tpu.core_type = #tpu.core_type<sc_vector_subcore>, window_params = [{transform_indices = #map}, {transform_indices = #map}, {transform_indices = #map1}, {transform_indices = #map}]} {
    %mul3A = arith.constant 2 : i32
    %mul3A_0 = arith.muli %arg1, %mul3A : i32
    %add3A = arith.addi %mul3A_0, %arg0 : i32
    %mul3A_1 = arith.constant 392 : i32
    %mul3A_2 = arith.muli %add3A, %mul3A_1 : i32
    %mul3A_3 = arith.constant 9 : i32
    %mul3A_4 = arith.muli %mul3A_2, %mul3A_3 : i32
    "tpu.region"() ({
      %run_scoped3A = tpu.sem_alloc : memref<!tpu.dma_semaphore, #tpu.memory_space<semaphore_mem>>
      %dma_start3A = tpu.memref_slice %arg4[%mul3A_4] : memref<112896xi32, #tpu.memory_space<hbm>> -> memref<3528xi32, #tpu.memory_space<hbm>>
      %dma_start3A_11 = tpu.memref_slice %arg4[%mul3A_4] : memref<112896xi32, #tpu.memory_space<hbm>> -> memref<3528xi32, #tpu.memory_space<hbm>>
      tpu.enqueue_dma source(%dma_start3A_11 : memref<3528xi32, #tpu.memory_space<hbm>>) target(%arg6 : memref<3528xi32, #tpu.memory_space<vmem>>) target_semaphore(%run_scoped3A : memref<!tpu.dma_semaphore, #tpu.memory_space<semaphore_mem>>)
      %dma_wait3A = tpu.memref_slice %arg4[%mul3A_4] : memref<112896xi32, #tpu.memory_space<hbm>> -> memref<3528xi32, #tpu.memory_space<hbm>>
      %dma_wait3A_12 = tpu.memref_slice %arg4[%mul3A_4] : memref<112896xi32, #tpu.memory_space<hbm>> -> memref<3528xi32, #tpu.memory_space<hbm>>
      tpu.wait_dma2 semaphore(%run_scoped3A : memref<!tpu.dma_semaphore, #tpu.memory_space<semaphore_mem>>) src(%dma_wait3A_12 : memref<3528xi32, #tpu.memory_space<hbm>>) dst(%arg6 : memref<3528xi32, #tpu.memory_space<vmem>>)
      tpu.yield
    }) : () -> ()
    "tpu.region"() ({
      %run_scoped3A = tpu.sem_alloc : memref<!tpu.dma_semaphore, #tpu.memory_space<semaphore_mem>>
      %dma_start3A = arith.constant 0 : i32
      %dma_start3A_11 = tpu.memref_slice %arg2[%mul3A_2, %dma_start3A] : memref<12544x96xf32, #tpu.memory_space<hbm>> -> memref<392x96xf32, #tpu.memory_space<hbm>>
      %dma_start3A_12 = arith.constant 0 : i32
      %dma_start3A_13 = tpu.memref_slice %arg2[%mul3A_2, %dma_start3A_12] : memref<12544x96xf32, #tpu.memory_space<hbm>> -> memref<392x96xf32, #tpu.memory_space<hbm>>
      tpu.enqueue_dma source(%dma_start3A_13 : memref<392x96xf32, #tpu.memory_space<hbm>>) target(%arg7 : memref<392x96xf32, #tpu.memory_space<vmem>>) target_semaphore(%run_scoped3A : memref<!tpu.dma_semaphore, #tpu.memory_space<semaphore_mem>>)
      %dma_wait3A = arith.constant 0 : i32
      %dma_wait3A_14 = tpu.memref_slice %arg2[%mul3A_2, %dma_wait3A] : memref<12544x96xf32, #tpu.memory_space<hbm>> -> memref<392x96xf32, #tpu.memory_space<hbm>>
      %dma_wait3A_15 = arith.constant 0 : i32
      %dma_wait3A_16 = tpu.memref_slice %arg2[%mul3A_2, %dma_wait3A_15] : memref<12544x96xf32, #tpu.memory_space<hbm>> -> memref<392x96xf32, #tpu.memory_space<hbm>>
      tpu.wait_dma2 semaphore(%run_scoped3A : memref<!tpu.dma_semaphore, #tpu.memory_space<semaphore_mem>>) src(%dma_wait3A_16 : memref<392x96xf32, #tpu.memory_space<hbm>>) dst(%arg7 : memref<392x96xf32, #tpu.memory_space<vmem>>)
      tpu.yield
    }) : () -> ()
    %scan3A = arith.constant 0 : i32
    %scan3A_5 = arith.constant 0 : i32
    %scan3A_6 = arith.constant 49 : i32
    %scan3A_7 = arith.addi %scan3A_5, %scan3A_6 : i32
    %scan3A_8 = arith.constant 1 : i32
    %scan3A_9 = scf.for %scan3A_11 = %scan3A_5 to %scan3A_7 step %scan3A_8 iter_args(%scan3A_12 = %scan3A) -> (i32)  : i32 {
      %mul3A_13 = arith.constant 72 : i32
      %mul3A_14 = arith.muli %scan3A_11, %mul3A_13 : i32
      %dma_start3A = tpu.memref_slice %arg6[%mul3A_14] : memref<3528xi32, #tpu.memory_space<vmem>> -> memref<72xi32, #tpu.memory_space<vmem>>
      %dma_start3A_15 = arith.constant 0 : i32
      %dma_start3A_16 = arith.constant 0 : i32
      %dma_start3A_17 = tpu.memref_slice %arg3[%dma_start3A_15, %dma_start3A_16] : memref<12544x128xf32, #tpu.memory_space<hbm>> -> memref<12544x128xf32, #tpu.memory_space<hbm>>
      tpu.enqueue_indirect_dma source(%dma_start3A_17 : memref<12544x128xf32, #tpu.memory_space<hbm>>) target(%arg9 : memref<72x128xf32, #tpu.memory_space<vmem>>) offsets(%dma_start3A : memref<72xi32, #tpu.memory_space<vmem>>) semaphore(%arg10 : memref<!tpu.dma_semaphore, #tpu.memory_space<semaphore_mem>>)
      %dma_wait3A = tpu.memref_slice %arg6[%mul3A_14] : memref<3528xi32, #tpu.memory_space<vmem>> -> memref<72xi32, #tpu.memory_space<vmem>>
      %dma_wait3A_18 = arith.constant 0 : i32
      %dma_wait3A_19 = arith.constant 0 : i32
      %dma_wait3A_20 = tpu.memref_slice %arg3[%dma_wait3A_18, %dma_wait3A_19] : memref<12544x128xf32, #tpu.memory_space<hbm>> -> memref<12544x128xf32, #tpu.memory_space<hbm>>
      tpu.wait_indirect_dma semaphore(%arg10 : memref<!tpu.dma_semaphore, #tpu.memory_space<semaphore_mem>>) src(%dma_wait3A_20 : memref<12544x128xf32, #tpu.memory_space<hbm>>) dst(%arg9 : memref<72x128xf32, #tpu.memory_space<vmem>>)
      %scan3A_21 = arith.constant 0 : i32
      %scan3A_22 = arith.constant 0 : i32
      %scan3A_23 = arith.constant 8 : i32
      %scan3A_24 = arith.addi %scan3A_22, %scan3A_23 : i32
      %scan3A_25 = arith.constant 1 : i32
      %scan3A_26 = scf.for %scan3A_29 = %scan3A_22 to %scan3A_24 step %scan3A_25 iter_args(%scan3A_30 = %scan3A_21) -> (i32)  : i32 {
        %mul3A_31 = arith.constant 8 : i32
        %mul3A_32 = arith.muli %scan3A_11, %mul3A_31 : i32
        %add3A_33 = arith.addi %mul3A_32, %scan3A_29 : i32
        %mul3A_34 = arith.constant 9 : i32
        %mul3A_35 = arith.muli %scan3A_29, %mul3A_34 : i32
        %get3A = arith.index_cast %mul3A_35 : i32 to index
        %get3A_36 = arith.constant 0 : index
        %get3A_37 = tpu.vector_load %arg9[%get3A, %get3A_36] {strides = array<i32>} : memref<72x128xf32, #tpu.memory_space<vmem>>, vector<1x16xf32>,
        %get3A_38 = vector.shape_cast %get3A_37 : vector<1x16xf32> to vector<16xf32>
        %mul3A_39 = arith.constant 9 : i32
        %mul3A_40 = arith.muli %scan3A_29, %mul3A_39 : i32
        %add3A_41 = arith.constant 1 : i32
        %add3A_42 = arith.addi %mul3A_40, %add3A_41 : i32
        %get3A_43 = arith.index_cast %add3A_42 : i32 to index
        %get3A_44 = arith.constant 0 : index
        %get3A_45 = tpu.vector_load %arg9[%get3A_43, %get3A_44] {strides = array<i32>} : memref<72x128xf32, #tpu.memory_space<vmem>>, vector<1x16xf32>,
        %get3A_46 = vector.shape_cast %get3A_45 : vector<1x16xf32> to vector<16xf32>
        %max3A = arith.maximumf %get3A_38, %get3A_46 : vector<16xf32>
        %mul3A_47 = arith.constant 9 : i32
        %mul3A_48 = arith.muli %scan3A_29, %mul3A_47 : i32
        %add3A_49 = arith.constant 2 : i32
        %add3A_50 = arith.addi %mul3A_48, %add3A_49 : i32
        %get3A_51 = arith.index_cast %add3A_50 : i32 to index
        %get3A_52 = arith.constant 0 : index
        %get3A_53 = tpu.vector_load %arg9[%get3A_51, %get3A_52] {strides = array<i32>} : memref<72x128xf32, #tpu.memory_space<vmem>>, vector<1x16xf32>,
        %get3A_54 = vector.shape_cast %get3A_53 : vector<1x16xf32> to vector<16xf32>
        %max3A_55 = arith.maximumf %max3A, %get3A_54 : vector<16xf32>
        %mul3A_56 = arith.constant 9 : i32
        %mul3A_57 = arith.muli %scan3A_29, %mul3A_56 : i32
        %add3A_58 = arith.constant 3 : i32
        %add3A_59 = arith.addi %mul3A_57, %add3A_58 : i32
        %get3A_60 = arith.index_cast %add3A_59 : i32 to index
        %get3A_61 = arith.constant 0 : index
        %get3A_62 = tpu.vector_load %arg9[%get3A_60, %get3A_61] {strides = array<i32>} : memref<72x128xf32, #tpu.memory_space<vmem>>, vector<1x16xf32>,
        %get3A_63 = vector.shape_cast %get3A_62 : vector<1x16xf32> to vector<16xf32>
        %max3A_64 = arith.maximumf %max3A_55, %get3A_63 : vector<16xf32>
        %mul3A_65 = arith.constant 9 : i32
        %mul3A_66 = arith.muli %scan3A_29, %mul3A_65 : i32
        %add3A_67 = arith.constant 4 : i32
        %add3A_68 = arith.addi %mul3A_66, %add3A_67 : i32
        %get3A_69 = arith.index_cast %add3A_68 : i32 to index
        %get3A_70 = arith.constant 0 : index
        %get3A_71 = tpu.vector_load %arg9[%get3A_69, %get3A_70] {strides = array<i32>} : memref<72x128xf32, #tpu.memory_space<vmem>>, vector<1x16xf32>,
        %get3A_72 = vector.shape_cast %get3A_71 : vector<1x16xf32> to vector<16xf32>
        %max3A_73 = arith.maximumf %max3A_64, %get3A_72 : vector<16xf32>
        %mul3A_74 = arith.constant 9 : i32
        %mul3A_75 = arith.muli %scan3A_29, %mul3A_74 : i32
        %add3A_76 = arith.constant 5 : i32
        %add3A_77 = arith.addi %mul3A_75, %add3A_76 : i32
        %get3A_78 = arith.index_cast %add3A_77 : i32 to index
        %get3A_79 = arith.constant 0 : index
        %get3A_80 = tpu.vector_load %arg9[%get3A_78, %get3A_79] {strides = array<i32>} : memref<72x128xf32, #tpu.memory_space<vmem>>, vector<1x16xf32>,
        %get3A_81 = vector.shape_cast %get3A_80 : vector<1x16xf32> to vector<16xf32>
        %max3A_82 = arith.maximumf %max3A_73, %get3A_81 : vector<16xf32>
        %mul3A_83 = arith.constant 9 : i32
        %mul3A_84 = arith.muli %scan3A_29, %mul3A_83 : i32
        %add3A_85 = arith.constant 6 : i32
        %add3A_86 = arith.addi %mul3A_84, %add3A_85 : i32
        %get3A_87 = arith.index_cast %add3A_86 : i32 to index
        %get3A_88 = arith.constant 0 : index
        %get3A_89 = tpu.vector_load %arg9[%get3A_87, %get3A_88] {strides = array<i32>} : memref<72x128xf32, #tpu.memory_space<vmem>>, vector<1x16xf32>,
        %get3A_90 = vector.shape_cast %get3A_89 : vector<1x16xf32> to vector<16xf32>
        %max3A_91 = arith.maximumf %max3A_82, %get3A_90 : vector<16xf32>
        %mul3A_92 = arith.constant 9 : i32
        %mul3A_93 = arith.muli %scan3A_29, %mul3A_92 : i32
        %add3A_94 = arith.constant 7 : i32
        %add3A_95 = arith.addi %mul3A_93, %add3A_94 : i32
        %get3A_96 = arith.index_cast %add3A_95 : i32 to index
        %get3A_97 = arith.constant 0 : index
        %get3A_98 = tpu.vector_load %arg9[%get3A_96, %get3A_97] {strides = array<i32>} : memref<72x128xf32, #tpu.memory_space<vmem>>, vector<1x16xf32>,
        %get3A_99 = vector.shape_cast %get3A_98 : vector<1x16xf32> to vector<16xf32>
        %max3A_100 = arith.maximumf %max3A_91, %get3A_99 : vector<16xf32>
        %mul3A_101 = arith.constant 9 : i32
        %mul3A_102 = arith.muli %scan3A_29, %mul3A_101 : i32
        %add3A_103 = arith.constant 8 : i32
        %add3A_104 = arith.addi %mul3A_102, %add3A_103 : i32
        %get3A_105 = arith.index_cast %add3A_104 : i32 to index
        %get3A_106 = arith.constant 0 : index
        %get3A_107 = tpu.vector_load %arg9[%get3A_105, %get3A_106] {strides = array<i32>} : memref<72x128xf32, #tpu.memory_space<vmem>>, vector<1x16xf32>,
        %get3A_108 = vector.shape_cast %get3A_107 : vector<1x16xf32> to vector<16xf32>
        %max3A_109 = arith.maximumf %max3A_100, %get3A_108 : vector<16xf32>
        %get3A_110 = arith.index_cast %add3A_33 : i32 to index
        %get3A_111 = arith.constant 0 : index
        %get3A_112 = tpu.vector_load %arg7[%get3A_110, %get3A_111] {strides = array<i32>} : memref<392x96xf32, #tpu.memory_space<vmem>>, vector<1x16xf32>,
        %get3A_113 = vector.shape_cast %get3A_112 : vector<1x16xf32> to vector<16xf32>
        %sub3A = arith.subf %max3A_109, %get3A_113 : vector<16xf32>
        %swap3A = arith.index_cast %add3A_33 : i32 to index
        %swap3A_114 = arith.constant 0 : index
        %swap3A_115 = tpu.vector_load %arg8[%swap3A, %swap3A_114] {strides = array<i32>} : memref<392x96xf32, #tpu.memory_space<vmem>>, vector<1x16xf32>,
        %swap3A_116 = vector.shape_cast %swap3A_115 : vector<1x16xf32> to vector<16xf32>
        %swap3A_117 = vector.shape_cast %sub3A : vector<16xf32> to vector<1x16xf32>
        tpu.vector_store %arg8[%swap3A, %swap3A_114], %swap3A_117 {strides = array<i32>} : memref<392x96xf32, #tpu.memory_space<vmem>>, vector<1x16xf32>,
        %mul3A_118 = arith.constant 9 : i32
        %mul3A_119 = arith.muli %scan3A_29, %mul3A_118 : i32
        %get3A_120 = arith.index_cast %mul3A_119 : i32 to index
        %get3A_121 = arith.constant 16 : index
        %get3A_122 = tpu.vector_load %arg9[%get3A_120, %get3A_121] {strides = array<i32>} : memref<72x128xf32, #tpu.memory_space<vmem>>, vector<1x16xf32>,
        %get3A_123 = vector.shape_cast %get3A_122 : vector<1x16xf32> to vector<16xf32>
        %mul3A_124 = arith.constant 9 : i32
        %mul3A_125 = arith.muli %scan3A_29, %mul3A_124 : i32
        %add3A_126 = arith.constant 1 : i32
        %add3A_127 = arith.addi %mul3A_125, %add3A_126 : i32
        %get3A_128 = arith.index_cast %add3A_127 : i32 to index
        %get3A_129 = arith.constant 16 : index
        %get3A_130 = tpu.vector_load %arg9[%get3A_128, %get3A_129] {strides = array<i32>} : memref<72x128xf32, #tpu.memory_space<vmem>>, vector<1x16xf32>,
        %get3A_131 = vector.shape_cast %get3A_130 : vector<1x16xf32> to vector<16xf32>
        %max3A_132 = arith.maximumf %get3A_123, %get3A_131 : vector<16xf32>
        %mul3A_133 = arith.constant 9 : i32
        %mul3A_134 = arith.muli %scan3A_29, %mul3A_133 : i32
        %add3A_135 = arith.constant 2 : i32
        %add3A_136 = arith.addi %mul3A_134, %add3A_135 : i32
        %get3A_137 = arith.index_cast %add3A_136 : i32 to index
        %get3A_138 = arith.constant 16 : index
        %get3A_139 = tpu.vector_load %arg9[%get3A_137, %get3A_138] {strides = array<i32>} : memref<72x128xf32, #tpu.memory_space<vmem>>, vector<1x16xf32>,
        %get3A_140 = vector.shape_cast %get3A_139 : vector<1x16xf32> to vector<16xf32>
        %max3A_141 = arith.maximumf %max3A_132, %get3A_140 : vector<16xf32>
        %mul3A_142 = arith.constant 9 : i32
        %mul3A_143 = arith.muli %scan3A_29, %mul3A_142 : i32
        %add3A_144 = arith.constant 3 : i32
        %add3A_145 = arith.addi %mul3A_143, %add3A_144 : i32
        %get3A_146 = arith.index_cast %add3A_145 : i32 to index
        %get3A_147 = arith.constant 16 : index
        %get3A_148 = tpu.vector_load %arg9[%get3A_146, %get3A_147] {strides = array<i32>} : memref<72x128xf32, #tpu.memory_space<vmem>>, vector<1x16xf32>,
        %get3A_149 = vector.shape_cast %get3A_148 : vector<1x16xf32> to vector<16xf32>
        %max3A_150 = arith.maximumf %max3A_141, %get3A_149 : vector<16xf32>
        %mul3A_151 = arith.constant 9 : i32
        %mul3A_152 = arith.muli %scan3A_29, %mul3A_151 : i32
        %add3A_153 = arith.constant 4 : i32
        %add3A_154 = arith.addi %mul3A_152, %add3A_153 : i32
        %get3A_155 = arith.index_cast %add3A_154 : i32 to index
        %get3A_156 = arith.constant 16 : index
        %get3A_157 = tpu.vector_load %arg9[%get3A_155, %get3A_156] {strides = array<i32>} : memref<72x128xf32, #tpu.memory_space<vmem>>, vector<1x16xf32>,
        %get3A_158 = vector.shape_cast %get3A_157 : vector<1x16xf32> to vector<16xf32>
        %max3A_159 = arith.maximumf %max3A_150, %get3A_158 : vector<16xf32>
        %mul3A_160 = arith.constant 9 : i32
        %mul3A_161 = arith.muli %scan3A_29, %mul3A_160 : i32
        %add3A_162 = arith.constant 5 : i32
        %add3A_163 = arith.addi %mul3A_161, %add3A_162 : i32
        %get3A_164 = arith.index_cast %add3A_163 : i32 to index
        %get3A_165 = arith.constant 16 : index
        %get3A_166 = tpu.vector_load %arg9[%get3A_164, %get3A_165] {strides = array<i32>} : memref<72x128xf32, #tpu.memory_space<vmem>>, vector<1x16xf32>,
        %get3A_167 = vector.shape_cast %get3A_166 : vector<1x16xf32> to vector<16xf32>
        %max3A_168 = arith.maximumf %max3A_159, %get3A_167 : vector<16xf32>
        %mul3A_169 = arith.constant 9 : i32
        %mul3A_170 = arith.muli %scan3A_29, %mul3A_169 : i32
        %add3A_171 = arith.constant 6 : i32
        %add3A_172 = arith.addi %mul3A_170, %add3A_171 : i32
        %get3A_173 = arith.index_cast %add3A_172 : i32 to index
        %get3A_174 = arith.constant 16 : index
        %get3A_175 = tpu.vector_load %arg9[%get3A_173, %get3A_174] {strides = array<i32>} : memref<72x128xf32, #tpu.memory_space<vmem>>, vector<1x16xf32>,
        %get3A_176 = vector.shape_cast %get3A_175 : vector<1x16xf32> to vector<16xf32>
        %max3A_177 = arith.maximumf %max3A_168, %get3A_176 : vector<16xf32>
        %mul3A_178 = arith.constant 9 : i32
        %mul3A_179 = arith.muli %scan3A_29, %mul3A_178 : i32
        %add3A_180 = arith.constant 7 : i32
        %add3A_181 = arith.addi %mul3A_179, %add3A_180 : i32
        %get3A_182 = arith.index_cast %add3A_181 : i32 to index
        %get3A_183 = arith.constant 16 : index
        %get3A_184 = tpu.vector_load %arg9[%get3A_182, %get3A_183] {strides = array<i32>} : memref<72x128xf32, #tpu.memory_space<vmem>>, vector<1x16xf32>,
        %get3A_185 = vector.shape_cast %get3A_184 : vector<1x16xf32> to vector<16xf32>
        %max3A_186 = arith.maximumf %max3A_177, %get3A_185 : vector<16xf32>
        %mul3A_187 = arith.constant 9 : i32
        %mul3A_188 = arith.muli %scan3A_29, %mul3A_187 : i32
        %add3A_189 = arith.constant 8 : i32
        %add3A_190 = arith.addi %mul3A_188, %add3A_189 : i32
        %get3A_191 = arith.index_cast %add3A_190 : i32 to index
        %get3A_192 = arith.constant 16 : index
        %get3A_193 = tpu.vector_load %arg9[%get3A_191, %get3A_192] {strides = array<i32>} : memref<72x128xf32, #tpu.memory_space<vmem>>, vector<1x16xf32>,
        %get3A_194 = vector.shape_cast %get3A_193 : vector<1x16xf32> to vector<16xf32>
        %max3A_195 = arith.maximumf %max3A_186, %get3A_194 : vector<16xf32>
        %get3A_196 = arith.index_cast %add3A_33 : i32 to index
        %get3A_197 = arith.constant 16 : index
        %get3A_198 = tpu.vector_load %arg7[%get3A_196, %get3A_197] {strides = array<i32>} : memref<392x96xf32, #tpu.memory_space<vmem>>, vector<1x16xf32>,
        %get3A_199 = vector.shape_cast %get3A_198 : vector<1x16xf32> to vector<16xf32>
        %sub3A_200 = arith.subf %max3A_195, %get3A_199 : vector<16xf32>
        %swap3A_201 = arith.index_cast %add3A_33 : i32 to index
        %swap3A_202 = arith.constant 16 : index
        %swap3A_203 = tpu.vector_load %arg8[%swap3A_201, %swap3A_202] {strides = array<i32>} : memref<392x96xf32, #tpu.memory_space<vmem>>, vector<1x16xf32>,
        %swap3A_204 = vector.shape_cast %swap3A_203 : vector<1x16xf32> to vector<16xf32>
        %swap3A_205 = vector.shape_cast %sub3A_200 : vector<16xf32> to vector<1x16xf32>
        tpu.vector_store %arg8[%swap3A_201, %swap3A_202], %swap3A_205 {strides = array<i32>} : memref<392x96xf32, #tpu.memory_space<vmem>>, vector<1x16xf32>,
        %mul3A_206 = arith.constant 9 : i32
        %mul3A_207 = arith.muli %scan3A_29, %mul3A_206 : i32
        %get3A_208 = arith.index_cast %mul3A_207 : i32 to index
        %get3A_209 = arith.constant 32 : index
        %get3A_210 = tpu.vector_load %arg9[%get3A_208, %get3A_209] {strides = array<i32>} : memref<72x128xf32, #tpu.memory_space<vmem>>, vector<1x16xf32>,
        %get3A_211 = vector.shape_cast %get3A_210 : vector<1x16xf32> to vector<16xf32>
        %mul3A_212 = arith.constant 9 : i32
        %mul3A_213 = arith.muli %scan3A_29, %mul3A_212 : i32
        %add3A_214 = arith.constant 1 : i32
        %add3A_215 = arith.addi %mul3A_213, %add3A_214 : i32
        %get3A_216 = arith.index_cast %add3A_215 : i32 to index
        %get3A_217 = arith.constant 32 : index
        %get3A_218 = tpu.vector_load %arg9[%get3A_216, %get3A_217] {strides = array<i32>} : memref<72x128xf32, #tpu.memory_space<vmem>>, vector<1x16xf32>,
        %get3A_219 = vector.shape_cast %get3A_218 : vector<1x16xf32> to vector<16xf32>
        %max3A_220 = arith.maximumf %get3A_211, %get3A_219 : vector<16xf32>
        %mul3A_221 = arith.constant 9 : i32
        %mul3A_222 = arith.muli %scan3A_29, %mul3A_221 : i32
        %add3A_223 = arith.constant 2 : i32
        %add3A_224 = arith.addi %mul3A_222, %add3A_223 : i32
        %get3A_225 = arith.index_cast %add3A_224 : i32 to index
        %get3A_226 = arith.constant 32 : index
        %get3A_227 = tpu.vector_load %arg9[%get3A_225, %get3A_226] {strides = array<i32>} : memref<72x128xf32, #tpu.memory_space<vmem>>, vector<1x16xf32>,
        %get3A_228 = vector.shape_cast %get3A_227 : vector<1x16xf32> to vector<16xf32>
        %max3A_229 = arith.maximumf %max3A_220, %get3A_228 : vector<16xf32>
        %mul3A_230 = arith.constant 9 : i32
        %mul3A_231 = arith.muli %scan3A_29, %mul3A_230 : i32
        %add3A_232 = arith.constant 3 : i32
        %add3A_233 = arith.addi %mul3A_231, %add3A_232 : i32
        %get3A_234 = arith.index_cast %add3A_233 : i32 to index
        %get3A_235 = arith.constant 32 : index
        %get3A_236 = tpu.vector_load %arg9[%get3A_234, %get3A_235] {strides = array<i32>} : memref<72x128xf32, #tpu.memory_space<vmem>>, vector<1x16xf32>,
        %get3A_237 = vector.shape_cast %get3A_236 : vector<1x16xf32> to vector<16xf32>
        %max3A_238 = arith.maximumf %max3A_229, %get3A_237 : vector<16xf32>
        %mul3A_239 = arith.constant 9 : i32
        %mul3A_240 = arith.muli %scan3A_29, %mul3A_239 : i32
        %add3A_241 = arith.constant 4 : i32
        %add3A_242 = arith.addi %mul3A_240, %add3A_241 : i32
        %get3A_243 = arith.index_cast %add3A_242 : i32 to index
        %get3A_244 = arith.constant 32 : index
        %get3A_245 = tpu.vector_load %arg9[%get3A_243, %get3A_244] {strides = array<i32>} : memref<72x128xf32, #tpu.memory_space<vmem>>, vector<1x16xf32>,
        %get3A_246 = vector.shape_cast %get3A_245 : vector<1x16xf32> to vector<16xf32>
        %max3A_247 = arith.maximumf %max3A_238, %get3A_246 : vector<16xf32>
        %mul3A_248 = arith.constant 9 : i32
        %mul3A_249 = arith.muli %scan3A_29, %mul3A_248 : i32
        %add3A_250 = arith.constant 5 : i32
        %add3A_251 = arith.addi %mul3A_249, %add3A_250 : i32
        %get3A_252 = arith.index_cast %add3A_251 : i32 to index
        %get3A_253 = arith.constant 32 : index
        %get3A_254 = tpu.vector_load %arg9[%get3A_252, %get3A_253] {strides = array<i32>} : memref<72x128xf32, #tpu.memory_space<vmem>>, vector<1x16xf32>,
        %get3A_255 = vector.shape_cast %get3A_254 : vector<1x16xf32> to vector<16xf32>
        %max3A_256 = arith.maximumf %max3A_247, %get3A_255 : vector<16xf32>
        %mul3A_257 = arith.constant 9 : i32
        %mul3A_258 = arith.muli %scan3A_29, %mul3A_257 : i32
        %add3A_259 = arith.constant 6 : i32
        %add3A_260 = arith.addi %mul3A_258, %add3A_259 : i32
        %get3A_261 = arith.index_cast %add3A_260 : i32 to index
        %get3A_262 = arith.constant 32 : index
        %get3A_263 = tpu.vector_load %arg9[%get3A_261, %get3A_262] {strides = array<i32>} : memref<72x128xf32, #tpu.memory_space<vmem>>, vector<1x16xf32>,
        %get3A_264 = vector.shape_cast %get3A_263 : vector<1x16xf32> to vector<16xf32>
        %max3A_265 = arith.maximumf %max3A_256, %get3A_264 : vector<16xf32>
        %mul3A_266 = arith.constant 9 : i32
        %mul3A_267 = arith.muli %scan3A_29, %mul3A_266 : i32
        %add3A_268 = arith.constant 7 : i32
        %add3A_269 = arith.addi %mul3A_267, %add3A_268 : i32
        %get3A_270 = arith.index_cast %add3A_269 : i32 to index
        %get3A_271 = arith.constant 32 : index
        %get3A_272 = tpu.vector_load %arg9[%get3A_270, %get3A_271] {strides = array<i32>} : memref<72x128xf32, #tpu.memory_space<vmem>>, vector<1x16xf32>,
        %get3A_273 = vector.shape_cast %get3A_272 : vector<1x16xf32> to vector<16xf32>
        %max3A_274 = arith.maximumf %max3A_265, %get3A_273 : vector<16xf32>
        %mul3A_275 = arith.constant 9 : i32
        %mul3A_276 = arith.muli %scan3A_29, %mul3A_275 : i32
        %add3A_277 = arith.constant 8 : i32
        %add3A_278 = arith.addi %mul3A_276, %add3A_277 : i32
        %get3A_279 = arith.index_cast %add3A_278 : i32 to index
        %get3A_280 = arith.constant 32 : index
        %get3A_281 = tpu.vector_load %arg9[%get3A_279, %get3A_280] {strides = array<i32>} : memref<72x128xf32, #tpu.memory_space<vmem>>, vector<1x16xf32>,
        %get3A_282 = vector.shape_cast %get3A_281 : vector<1x16xf32> to vector<16xf32>
        %max3A_283 = arith.maximumf %max3A_274, %get3A_282 : vector<16xf32>
        %get3A_284 = arith.index_cast %add3A_33 : i32 to index
        %get3A_285 = arith.constant 32 : index
        %get3A_286 = tpu.vector_load %arg7[%get3A_284, %get3A_285] {strides = array<i32>} : memref<392x96xf32, #tpu.memory_space<vmem>>, vector<1x16xf32>,
        %get3A_287 = vector.shape_cast %get3A_286 : vector<1x16xf32> to vector<16xf32>
        %sub3A_288 = arith.subf %max3A_283, %get3A_287 : vector<16xf32>
        %swap3A_289 = arith.index_cast %add3A_33 : i32 to index
        %swap3A_290 = arith.constant 32 : index
        %swap3A_291 = tpu.vector_load %arg8[%swap3A_289, %swap3A_290] {strides = array<i32>} : memref<392x96xf32, #tpu.memory_space<vmem>>, vector<1x16xf32>,
        %swap3A_292 = vector.shape_cast %swap3A_291 : vector<1x16xf32> to vector<16xf32>
        %swap3A_293 = vector.shape_cast %sub3A_288 : vector<16xf32> to vector<1x16xf32>
        tpu.vector_store %arg8[%swap3A_289, %swap3A_290], %swap3A_293 {strides = array<i32>} : memref<392x96xf32, #tpu.memory_space<vmem>>, vector<1x16xf32>,
        %mul3A_294 = arith.constant 9 : i32
        %mul3A_295 = arith.muli %scan3A_29, %mul3A_294 : i32
        %get3A_296 = arith.index_cast %mul3A_295 : i32 to index
        %get3A_297 = arith.constant 48 : index
        %get3A_298 = tpu.vector_load %arg9[%get3A_296, %get3A_297] {strides = array<i32>} : memref<72x128xf32, #tpu.memory_space<vmem>>, vector<1x16xf32>,
        %get3A_299 = vector.shape_cast %get3A_298 : vector<1x16xf32> to vector<16xf32>
        %mul3A_300 = arith.constant 9 : i32
        %mul3A_301 = arith.muli %scan3A_29, %mul3A_300 : i32
        %add3A_302 = arith.constant 1 : i32
        %add3A_303 = arith.addi %mul3A_301, %add3A_302 : i32
        %get3A_304 = arith.index_cast %add3A_303 : i32 to index
        %get3A_305 = arith.constant 48 : index
        %get3A_306 = tpu.vector_load %arg9[%get3A_304, %get3A_305] {strides = array<i32>} : memref<72x128xf32, #tpu.memory_space<vmem>>, vector<1x16xf32>,
        %get3A_307 = vector.shape_cast %get3A_306 : vector<1x16xf32> to vector<16xf32>
        %max3A_308 = arith.maximumf %get3A_299, %get3A_307 : vector<16xf32>
        %mul3A_309 = arith.constant 9 : i32
        %mul3A_310 = arith.muli %scan3A_29, %mul3A_309 : i32
        %add3A_311 = arith.constant 2 : i32
        %add3A_312 = arith.addi %mul3A_310, %add3A_311 : i32
        %get3A_313 = arith.index_cast %add3A_312 : i32 to index
        %get3A_314 = arith.constant 48 : index
        %get3A_315 = tpu.vector_load %arg9[%get3A_313, %get3A_314] {strides = array<i32>} : memref<72x128xf32, #tpu.memory_space<vmem>>, vector<1x16xf32>,
        %get3A_316 = vector.shape_cast %get3A_315 : vector<1x16xf32> to vector<16xf32>
        %max3A_317 = arith.maximumf %max3A_308, %get3A_316 : vector<16xf32>
        %mul3A_318 = arith.constant 9 : i32
        %mul3A_319 = arith.muli %scan3A_29, %mul3A_318 : i32
        %add3A_320 = arith.constant 3 : i32
        %add3A_321 = arith.addi %mul3A_319, %add3A_320 : i32
        %get3A_322 = arith.index_cast %add3A_321 : i32 to index
        %get3A_323 = arith.constant 48 : index
        %get3A_324 = tpu.vector_load %arg9[%get3A_322, %get3A_323] {strides = array<i32>} : memref<72x128xf32, #tpu.memory_space<vmem>>, vector<1x16xf32>,
        %get3A_325 = vector.shape_cast %get3A_324 : vector<1x16xf32> to vector<16xf32>
        %max3A_326 = arith.maximumf %max3A_317, %get3A_325 : vector<16xf32>
        %mul3A_327 = arith.constant 9 : i32
        %mul3A_328 = arith.muli %scan3A_29, %mul3A_327 : i32
        %add3A_329 = arith.constant 4 : i32
        %add3A_330 = arith.addi %mul3A_328, %add3A_329 : i32
        %get3A_331 = arith.index_cast %add3A_330 : i32 to index
        %get3A_332 = arith.constant 48 : index
        %get3A_333 = tpu.vector_load %arg9[%get3A_331, %get3A_332] {strides = array<i32>} : memref<72x128xf32, #tpu.memory_space<vmem>>, vector<1x16xf32>,
        %get3A_334 = vector.shape_cast %get3A_333 : vector<1x16xf32> to vector<16xf32>
        %max3A_335 = arith.maximumf %max3A_326, %get3A_334 : vector<16xf32>
        %mul3A_336 = arith.constant 9 : i32
        %mul3A_337 = arith.muli %scan3A_29, %mul3A_336 : i32
        %add3A_338 = arith.constant 5 : i32
        %add3A_339 = arith.addi %mul3A_337, %add3A_338 : i32
        %get3A_340 = arith.index_cast %add3A_339 : i32 to index
        %get3A_341 = arith.constant 48 : index
        %get3A_342 = tpu.vector_load %arg9[%get3A_340, %get3A_341] {strides = array<i32>} : memref<72x128xf32, #tpu.memory_space<vmem>>, vector<1x16xf32>,
        %get3A_343 = vector.shape_cast %get3A_342 : vector<1x16xf32> to vector<16xf32>
        %max3A_344 = arith.maximumf %max3A_335, %get3A_343 : vector<16xf32>
        %mul3A_345 = arith.constant 9 : i32
        %mul3A_346 = arith.muli %scan3A_29, %mul3A_345 : i32
        %add3A_347 = arith.constant 6 : i32
        %add3A_348 = arith.addi %mul3A_346, %add3A_347 : i32
        %get3A_349 = arith.index_cast %add3A_348 : i32 to index
        %get3A_350 = arith.constant 48 : index
        %get3A_351 = tpu.vector_load %arg9[%get3A_349, %get3A_350] {strides = array<i32>} : memref<72x128xf32, #tpu.memory_space<vmem>>, vector<1x16xf32>,
        %get3A_352 = vector.shape_cast %get3A_351 : vector<1x16xf32> to vector<16xf32>
        %max3A_353 = arith.maximumf %max3A_344, %get3A_352 : vector<16xf32>
        %mul3A_354 = arith.constant 9 : i32
        %mul3A_355 = arith.muli %scan3A_29, %mul3A_354 : i32
        %add3A_356 = arith.constant 7 : i32
        %add3A_357 = arith.addi %mul3A_355, %add3A_356 : i32
        %get3A_358 = arith.index_cast %add3A_357 : i32 to index
        %get3A_359 = arith.constant 48 : index
        %get3A_360 = tpu.vector_load %arg9[%get3A_358, %get3A_359] {strides = array<i32>} : memref<72x128xf32, #tpu.memory_space<vmem>>, vector<1x16xf32>,
        %get3A_361 = vector.shape_cast %get3A_360 : vector<1x16xf32> to vector<16xf32>
        %max3A_362 = arith.maximumf %max3A_353, %get3A_361 : vector<16xf32>
        %mul3A_363 = arith.constant 9 : i32
        %mul3A_364 = arith.muli %scan3A_29, %mul3A_363 : i32
        %add3A_365 = arith.constant 8 : i32
        %add3A_366 = arith.addi %mul3A_364, %add3A_365 : i32
        %get3A_367 = arith.index_cast %add3A_366 : i32 to index
        %get3A_368 = arith.constant 48 : index
        %get3A_369 = tpu.vector_load %arg9[%get3A_367, %get3A_368] {strides = array<i32>} : memref<72x128xf32, #tpu.memory_space<vmem>>, vector<1x16xf32>,
        %get3A_370 = vector.shape_cast %get3A_369 : vector<1x16xf32> to vector<16xf32>
        %max3A_371 = arith.maximumf %max3A_362, %get3A_370 : vector<16xf32>
        %get3A_372 = arith.index_cast %add3A_33 : i32 to index
        %get3A_373 = arith.constant 48 : index
        %get3A_374 = tpu.vector_load %arg7[%get3A_372, %get3A_373] {strides = array<i32>} : memref<392x96xf32, #tpu.memory_space<vmem>>, vector<1x16xf32>,
        %get3A_375 = vector.shape_cast %get3A_374 : vector<1x16xf32> to vector<16xf32>
        %sub3A_376 = arith.subf %max3A_371, %get3A_375 : vector<16xf32>
        %swap3A_377 = arith.index_cast %add3A_33 : i32 to index
        %swap3A_378 = arith.constant 48 : index
        %swap3A_379 = tpu.vector_load %arg8[%swap3A_377, %swap3A_378] {strides = array<i32>} : memref<392x96xf32, #tpu.memory_space<vmem>>, vector<1x16xf32>,
        %swap3A_380 = vector.shape_cast %swap3A_379 : vector<1x16xf32> to vector<16xf32>
        %swap3A_381 = vector.shape_cast %sub3A_376 : vector<16xf32> to vector<1x16xf32>
        tpu.vector_store %arg8[%swap3A_377, %swap3A_378], %swap3A_381 {strides = array<i32>} : memref<392x96xf32, #tpu.memory_space<vmem>>, vector<1x16xf32>,
        %mul3A_382 = arith.constant 9 : i32
        %mul3A_383 = arith.muli %scan3A_29, %mul3A_382 : i32
        %get3A_384 = arith.index_cast %mul3A_383 : i32 to index
        %get3A_385 = arith.constant 64 : index
        %get3A_386 = tpu.vector_load %arg9[%get3A_384, %get3A_385] {strides = array<i32>} : memref<72x128xf32, #tpu.memory_space<vmem>>, vector<1x16xf32>,
        %get3A_387 = vector.shape_cast %get3A_386 : vector<1x16xf32> to vector<16xf32>
        %mul3A_388 = arith.constant 9 : i32
        %mul3A_389 = arith.muli %scan3A_29, %mul3A_388 : i32
        %add3A_390 = arith.constant 1 : i32
        %add3A_391 = arith.addi %mul3A_389, %add3A_390 : i32
        %get3A_392 = arith.index_cast %add3A_391 : i32 to index
        %get3A_393 = arith.constant 64 : index
        %get3A_394 = tpu.vector_load %arg9[%get3A_392, %get3A_393] {strides = array<i32>} : memref<72x128xf32, #tpu.memory_space<vmem>>, vector<1x16xf32>,
        %get3A_395 = vector.shape_cast %get3A_394 : vector<1x16xf32> to vector<16xf32>
        %max3A_396 = arith.maximumf %get3A_387, %get3A_395 : vector<16xf32>
        %mul3A_397 = arith.constant 9 : i32
        %mul3A_398 = arith.muli %scan3A_29, %mul3A_397 : i32
        %add3A_399 = arith.constant 2 : i32
        %add3A_400 = arith.addi %mul3A_398, %add3A_399 : i32
        %get3A_401 = arith.index_cast %add3A_400 : i32 to index
        %get3A_402 = arith.constant 64 : index
        %get3A_403 = tpu.vector_load %arg9[%get3A_401, %get3A_402] {strides = array<i32>} : memref<72x128xf32, #tpu.memory_space<vmem>>, vector<1x16xf32>,
        %get3A_404 = vector.shape_cast %get3A_403 : vector<1x16xf32> to vector<16xf32>
        %max3A_405 = arith.maximumf %max3A_396, %get3A_404 : vector<16xf32>
        %mul3A_406 = arith.constant 9 : i32
        %mul3A_407 = arith.muli %scan3A_29, %mul3A_406 : i32
        %add3A_408 = arith.constant 3 : i32
        %add3A_409 = arith.addi %mul3A_407, %add3A_408 : i32
        %get3A_410 = arith.index_cast %add3A_409 : i32 to index
        %get3A_411 = arith.constant 64 : index
        %get3A_412 = tpu.vector_load %arg9[%get3A_410, %get3A_411] {strides = array<i32>} : memref<72x128xf32, #tpu.memory_space<vmem>>, vector<1x16xf32>,
        %get3A_413 = vector.shape_cast %get3A_412 : vector<1x16xf32> to vector<16xf32>
        %max3A_414 = arith.maximumf %max3A_405, %get3A_413 : vector<16xf32>
        %mul3A_415 = arith.constant 9 : i32
        %mul3A_416 = arith.muli %scan3A_29, %mul3A_415 : i32
        %add3A_417 = arith.constant 4 : i32
        %add3A_418 = arith.addi %mul3A_416, %add3A_417 : i32
        %get3A_419 = arith.index_cast %add3A_418 : i32 to index
        %get3A_420 = arith.constant 64 : index
        %get3A_421 = tpu.vector_load %arg9[%get3A_419, %get3A_420] {strides = array<i32>} : memref<72x128xf32, #tpu.memory_space<vmem>>, vector<1x16xf32>,
        %get3A_422 = vector.shape_cast %get3A_421 : vector<1x16xf32> to vector<16xf32>
        %max3A_423 = arith.maximumf %max3A_414, %get3A_422 : vector<16xf32>
        %mul3A_424 = arith.constant 9 : i32
        %mul3A_425 = arith.muli %scan3A_29, %mul3A_424 : i32
        %add3A_426 = arith.constant 5 : i32
        %add3A_427 = arith.addi %mul3A_425, %add3A_426 : i32
        %get3A_428 = arith.index_cast %add3A_427 : i32 to index
        %get3A_429 = arith.constant 64 : index
        %get3A_430 = tpu.vector_load %arg9[%get3A_428, %get3A_429] {strides = array<i32>} : memref<72x128xf32, #tpu.memory_space<vmem>>, vector<1x16xf32>,
        %get3A_431 = vector.shape_cast %get3A_430 : vector<1x16xf32> to vector<16xf32>
        %max3A_432 = arith.maximumf %max3A_423, %get3A_431 : vector<16xf32>
        %mul3A_433 = arith.constant 9 : i32
        %mul3A_434 = arith.muli %scan3A_29, %mul3A_433 : i32
        %add3A_435 = arith.constant 6 : i32
        %add3A_436 = arith.addi %mul3A_434, %add3A_435 : i32
        %get3A_437 = arith.index_cast %add3A_436 : i32 to index
        %get3A_438 = arith.constant 64 : index
        %get3A_439 = tpu.vector_load %arg9[%get3A_437, %get3A_438] {strides = array<i32>} : memref<72x128xf32, #tpu.memory_space<vmem>>, vector<1x16xf32>,
        %get3A_440 = vector.shape_cast %get3A_439 : vector<1x16xf32> to vector<16xf32>
        %max3A_441 = arith.maximumf %max3A_432, %get3A_440 : vector<16xf32>
        %mul3A_442 = arith.constant 9 : i32
        %mul3A_443 = arith.muli %scan3A_29, %mul3A_442 : i32
        %add3A_444 = arith.constant 7 : i32
        %add3A_445 = arith.addi %mul3A_443, %add3A_444 : i32
        %get3A_446 = arith.index_cast %add3A_445 : i32 to index
        %get3A_447 = arith.constant 64 : index
        %get3A_448 = tpu.vector_load %arg9[%get3A_446, %get3A_447] {strides = array<i32>} : memref<72x128xf32, #tpu.memory_space<vmem>>, vector<1x16xf32>,
        %get3A_449 = vector.shape_cast %get3A_448 : vector<1x16xf32> to vector<16xf32>
        %max3A_450 = arith.maximumf %max3A_441, %get3A_449 : vector<16xf32>
        %mul3A_451 = arith.constant 9 : i32
        %mul3A_452 = arith.muli %scan3A_29, %mul3A_451 : i32
        %add3A_453 = arith.constant 8 : i32
        %add3A_454 = arith.addi %mul3A_452, %add3A_453 : i32
        %get3A_455 = arith.index_cast %add3A_454 : i32 to index
        %get3A_456 = arith.constant 64 : index
        %get3A_457 = tpu.vector_load %arg9[%get3A_455, %get3A_456] {strides = array<i32>} : memref<72x128xf32, #tpu.memory_space<vmem>>, vector<1x16xf32>,
        %get3A_458 = vector.shape_cast %get3A_457 : vector<1x16xf32> to vector<16xf32>
        %max3A_459 = arith.maximumf %max3A_450, %get3A_458 : vector<16xf32>
        %get3A_460 = arith.index_cast %add3A_33 : i32 to index
        %get3A_461 = arith.constant 64 : index
        %get3A_462 = tpu.vector_load %arg7[%get3A_460, %get3A_461] {strides = array<i32>} : memref<392x96xf32, #tpu.memory_space<vmem>>, vector<1x16xf32>,
        %get3A_463 = vector.shape_cast %get3A_462 : vector<1x16xf32> to vector<16xf32>
        %sub3A_464 = arith.subf %max3A_459, %get3A_463 : vector<16xf32>
        %swap3A_465 = arith.index_cast %add3A_33 : i32 to index
        %swap3A_466 = arith.constant 64 : index
        %swap3A_467 = tpu.vector_load %arg8[%swap3A_465, %swap3A_466] {strides = array<i32>} : memref<392x96xf32, #tpu.memory_space<vmem>>, vector<1x16xf32>,
        %swap3A_468 = vector.shape_cast %swap3A_467 : vector<1x16xf32> to vector<16xf32>
        %swap3A_469 = vector.shape_cast %sub3A_464 : vector<16xf32> to vector<1x16xf32>
        tpu.vector_store %arg8[%swap3A_465, %swap3A_466], %swap3A_469 {strides = array<i32>} : memref<392x96xf32, #tpu.memory_space<vmem>>, vector<1x16xf32>,
        %mul3A_470 = arith.constant 9 : i32
        %mul3A_471 = arith.muli %scan3A_29, %mul3A_470 : i32
        %get3A_472 = arith.index_cast %mul3A_471 : i32 to index
        %get3A_473 = arith.constant 80 : index
        %get3A_474 = tpu.vector_load %arg9[%get3A_472, %get3A_473] {strides = array<i32>} : memref<72x128xf32, #tpu.memory_space<vmem>>, vector<1x16xf32>,
        %get3A_475 = vector.shape_cast %get3A_474 : vector<1x16xf32> to vector<16xf32>
        %mul3A_476 = arith.constant 9 : i32
        %mul3A_477 = arith.muli %scan3A_29, %mul3A_476 : i32
        %add3A_478 = arith.constant 1 : i32
        %add3A_479 = arith.addi %mul3A_477, %add3A_478 : i32
        %get3A_480 = arith.index_cast %add3A_479 : i32 to index
        %get3A_481 = arith.constant 80 : index
        %get3A_482 = tpu.vector_load %arg9[%get3A_480, %get3A_481] {strides = array<i32>} : memref<72x128xf32, #tpu.memory_space<vmem>>, vector<1x16xf32>,
        %get3A_483 = vector.shape_cast %get3A_482 : vector<1x16xf32> to vector<16xf32>
        %max3A_484 = arith.maximumf %get3A_475, %get3A_483 : vector<16xf32>
        %mul3A_485 = arith.constant 9 : i32
        %mul3A_486 = arith.muli %scan3A_29, %mul3A_485 : i32
        %add3A_487 = arith.constant 2 : i32
        %add3A_488 = arith.addi %mul3A_486, %add3A_487 : i32
        %get3A_489 = arith.index_cast %add3A_488 : i32 to index
        %get3A_490 = arith.constant 80 : index
        %get3A_491 = tpu.vector_load %arg9[%get3A_489, %get3A_490] {strides = array<i32>} : memref<72x128xf32, #tpu.memory_space<vmem>>, vector<1x16xf32>,
        %get3A_492 = vector.shape_cast %get3A_491 : vector<1x16xf32> to vector<16xf32>
        %max3A_493 = arith.maximumf %max3A_484, %get3A_492 : vector<16xf32>
        %mul3A_494 = arith.constant 9 : i32
        %mul3A_495 = arith.muli %scan3A_29, %mul3A_494 : i32
        %add3A_496 = arith.constant 3 : i32
        %add3A_497 = arith.addi %mul3A_495, %add3A_496 : i32
        %get3A_498 = arith.index_cast %add3A_497 : i32 to index
        %get3A_499 = arith.constant 80 : index
        %get3A_500 = tpu.vector_load %arg9[%get3A_498, %get3A_499] {strides = array<i32>} : memref<72x128xf32, #tpu.memory_space<vmem>>, vector<1x16xf32>,
        %get3A_501 = vector.shape_cast %get3A_500 : vector<1x16xf32> to vector<16xf32>
        %max3A_502 = arith.maximumf %max3A_493, %get3A_501 : vector<16xf32>
        %mul3A_503 = arith.constant 9 : i32
        %mul3A_504 = arith.muli %scan3A_29, %mul3A_503 : i32
        %add3A_505 = arith.constant 4 : i32
        %add3A_506 = arith.addi %mul3A_504, %add3A_505 : i32
        %get3A_507 = arith.index_cast %add3A_506 : i32 to index
        %get3A_508 = arith.constant 80 : index
        %get3A_509 = tpu.vector_load %arg9[%get3A_507, %get3A_508] {strides = array<i32>} : memref<72x128xf32, #tpu.memory_space<vmem>>, vector<1x16xf32>,
        %get3A_510 = vector.shape_cast %get3A_509 : vector<1x16xf32> to vector<16xf32>
        %max3A_511 = arith.maximumf %max3A_502, %get3A_510 : vector<16xf32>
        %mul3A_512 = arith.constant 9 : i32
        %mul3A_513 = arith.muli %scan3A_29, %mul3A_512 : i32
        %add3A_514 = arith.constant 5 : i32
        %add3A_515 = arith.addi %mul3A_513, %add3A_514 : i32
        %get3A_516 = arith.index_cast %add3A_515 : i32 to index
        %get3A_517 = arith.constant 80 : index
        %get3A_518 = tpu.vector_load %arg9[%get3A_516, %get3A_517] {strides = array<i32>} : memref<72x128xf32, #tpu.memory_space<vmem>>, vector<1x16xf32>,
        %get3A_519 = vector.shape_cast %get3A_518 : vector<1x16xf32> to vector<16xf32>
        %max3A_520 = arith.maximumf %max3A_511, %get3A_519 : vector<16xf32>
        %mul3A_521 = arith.constant 9 : i32
        %mul3A_522 = arith.muli %scan3A_29, %mul3A_521 : i32
        %add3A_523 = arith.constant 6 : i32
        %add3A_524 = arith.addi %mul3A_522, %add3A_523 : i32
        %get3A_525 = arith.index_cast %add3A_524 : i32 to index
        %get3A_526 = arith.constant 80 : index
        %get3A_527 = tpu.vector_load %arg9[%get3A_525, %get3A_526] {strides = array<i32>} : memref<72x128xf32, #tpu.memory_space<vmem>>, vector<1x16xf32>,
        %get3A_528 = vector.shape_cast %get3A_527 : vector<1x16xf32> to vector<16xf32>
        %max3A_529 = arith.maximumf %max3A_520, %get3A_528 : vector<16xf32>
        %mul3A_530 = arith.constant 9 : i32
        %mul3A_531 = arith.muli %scan3A_29, %mul3A_530 : i32
        %add3A_532 = arith.constant 7 : i32
        %add3A_533 = arith.addi %mul3A_531, %add3A_532 : i32
        %get3A_534 = arith.index_cast %add3A_533 : i32 to index
        %get3A_535 = arith.constant 80 : index
        %get3A_536 = tpu.vector_load %arg9[%get3A_534, %get3A_535] {strides = array<i32>} : memref<72x128xf32, #tpu.memory_space<vmem>>, vector<1x16xf32>,
        %get3A_537 = vector.shape_cast %get3A_536 : vector<1x16xf32> to vector<16xf32>
        %max3A_538 = arith.maximumf %max3A_529, %get3A_537 : vector<16xf32>
        %mul3A_539 = arith.constant 9 : i32
        %mul3A_540 = arith.muli %scan3A_29, %mul3A_539 : i32
        %add3A_541 = arith.constant 8 : i32
        %add3A_542 = arith.addi %mul3A_540, %add3A_541 : i32
        %get3A_543 = arith.index_cast %add3A_542 : i32 to index
        %get3A_544 = arith.constant 80 : index
        %get3A_545 = tpu.vector_load %arg9[%get3A_543, %get3A_544] {strides = array<i32>} : memref<72x128xf32, #tpu.memory_space<vmem>>, vector<1x16xf32>,
        %get3A_546 = vector.shape_cast %get3A_545 : vector<1x16xf32> to vector<16xf32>
        %max3A_547 = arith.maximumf %max3A_538, %get3A_546 : vector<16xf32>
        %get3A_548 = arith.index_cast %add3A_33 : i32 to index
        %get3A_549 = arith.constant 80 : index
        %get3A_550 = tpu.vector_load %arg7[%get3A_548, %get3A_549] {strides = array<i32>} : memref<392x96xf32, #tpu.memory_space<vmem>>, vector<1x16xf32>,
        %get3A_551 = vector.shape_cast %get3A_550 : vector<1x16xf32> to vector<16xf32>
        %sub3A_552 = arith.subf %max3A_547, %get3A_551 : vector<16xf32>
        %swap3A_553 = arith.index_cast %add3A_33 : i32 to index
        %swap3A_554 = arith.constant 80 : index
        %swap3A_555 = tpu.vector_load %arg8[%swap3A_553, %swap3A_554] {strides = array<i32>} : memref<392x96xf32, #tpu.memory_space<vmem>>, vector<1x16xf32>,
        %swap3A_556 = vector.shape_cast %swap3A_555 : vector<1x16xf32> to vector<16xf32>
        %swap3A_557 = vector.shape_cast %sub3A_552 : vector<16xf32> to vector<1x16xf32>
        tpu.vector_store %arg8[%swap3A_553, %swap3A_554], %swap3A_557 {strides = array<i32>} : memref<392x96xf32, #tpu.memory_space<vmem>>, vector<1x16xf32>,
        %scan3A_558 = arith.constant 0 : i32
        scf.yield %scan3A_558 : i32
      }
      %scan3A_27 = arith.constant 8 : i32
      %scan3A_28 = arith.constant 0 : i32
      scf.yield %scan3A_28 : i32
    }
    %scan3A_10 = arith.constant 49 : i32
    "tpu.region"() ({
      %run_scoped3A = tpu.sem_alloc : memref<!tpu.dma_semaphore, #tpu.memory_space<semaphore_mem>>
      %dma_start3A = arith.constant 0 : i32
      %dma_start3A_11 = tpu.memref_slice %arg5[%mul3A_2, %dma_start3A] : memref<12544x96xf32, #tpu.memory_space<hbm>> -> memref<392x96xf32, #tpu.memory_space<hbm>>
      %dma_start3A_12 = arith.constant 0 : i32
      %dma_start3A_13 = tpu.memref_slice %arg5[%mul3A_2, %dma_start3A_12] : memref<12544x96xf32, #tpu.memory_space<hbm>> -> memref<392x96xf32, #tpu.memory_space<hbm>>
      tpu.enqueue_dma source(%arg8 : memref<392x96xf32, #tpu.memory_space<vmem>>) target(%dma_start3A_13 : memref<392x96xf32, #tpu.memory_space<hbm>>) target_semaphore(%run_scoped3A : memref<!tpu.dma_semaphore, #tpu.memory_space<semaphore_mem>>)
      %dma_wait3A = arith.constant 0 : i32
      %dma_wait3A_14 = tpu.memref_slice %arg5[%mul3A_2, %dma_wait3A] : memref<12544x96xf32, #tpu.memory_space<hbm>> -> memref<392x96xf32, #tpu.memory_space<hbm>>
      %dma_wait3A_15 = arith.constant 0 : i32
      %dma_wait3A_16 = tpu.memref_slice %arg5[%mul3A_2, %dma_wait3A_15] : memref<12544x96xf32, #tpu.memory_space<hbm>> -> memref<392x96xf32, #tpu.memory_space<hbm>>
      tpu.wait_dma2 semaphore(%run_scoped3A : memref<!tpu.dma_semaphore, #tpu.memory_space<semaphore_mem>>) src(%arg8 : memref<392x96xf32, #tpu.memory_space<vmem>>) dst(%dma_wait3A_16 : memref<392x96xf32, #tpu.memory_space<hbm>>)
      tpu.yield
    }) : () -> ()
    return
  }
}

module attributes {stable_mosaic.version = 14 : i64} {
  func.func @_knn_body(%arg0: i32, %arg1: i32, %arg2: memref<1x448x96xf32, #tpu.memory_space<vmem>>, %arg3: memref<1x96x3136xf32, #tpu.memory_space<vmem>>, %arg4: memref<1x448x9xi32, #tpu.memory_space<vmem>>) attributes {dimension_semantics = [#tpu.dimension_semantics<arbitrary>, #tpu.dimension_semantics<arbitrary>], iteration_bounds = array<i64: 4, 7>, scalar_prefetch = 0 : i64, scratch_operands = 0 : i64, tpu.core_type = #tpu.core_type<tc>, window_params = [{transform_indices = @transform_0, window_bounds = array<i64: 1, 448, 96>}, {transform_indices = @transform_1, window_bounds = array<i64: 1, 96, 3136>}, {transform_indices = @transform_2, window_bounds = array<i64: 1, 448, 9>}]} {
    %get3A = arith.constant 0 : index
    %get3A_0 = arith.constant 0 : index
    %get3A_1 = arith.constant 0 : index
    %get3A_2 = vector.load %arg3[%get3A, %get3A_0, %get3A_1] : memref<1x96x3136xf32, #tpu.memory_space<vmem>>, vector<1x96x3136xf32>
    %get3A_3 = vector.shape_cast %get3A_2 : vector<1x96x3136xf32> to vector<96x3136xf32>
    %mul3A = arith.mulf %get3A_3, %get3A_3 : vector<96x3136xf32>
    %reduce_sum3A = arith.constant dense<0.000000e+00> : vector<3136xf32>
    %reduce_sum3A_4 = vector.multi_reduction <add>, %mul3A, %reduce_sum3A [0] : vector<96x3136xf32> to vector<3136xf32>
    %broadcast_in_dim3A = vector.shape_cast %reduce_sum3A_4 : vector<3136xf32> to vector<1x3136xf32>
    %sqrt3A = math.sqrt %broadcast_in_dim3A : vector<1x3136xf32>
    %max3A = arith.constant 9.99999996E-13 : f32
    %max3A_5 = vector.broadcast %max3A : f32 to vector<1x3136xf32>
    %max3A_6 = arith.maximumf %sqrt3A, %max3A_5 : vector<1x3136xf32>
    %div3A = vector.broadcast %max3A_6 : vector<1x3136xf32> to vector<96x3136xf32>
    %div3A_7 = arith.divf %get3A_3, %div3A : vector<96x3136xf32>
    %mul3A_8 = arith.mulf %div3A_7, %div3A_7 : vector<96x3136xf32>
    %reduce_sum3A_9 = arith.constant dense<0.000000e+00> : vector<3136xf32>
    %reduce_sum3A_10 = vector.multi_reduction <add>, %mul3A_8, %reduce_sum3A_9 [0] : vector<96x3136xf32> to vector<3136xf32>
    %get3A_11 = arith.constant 0 : index
    %get3A_12 = arith.constant 0 : index
    %get3A_13 = arith.constant 0 : index
    %get3A_14 = vector.load %arg2[%get3A_11, %get3A_12, %get3A_13] : memref<1x448x96xf32, #tpu.memory_space<vmem>>, vector<1x448x96xf32>
    %get3A_15 = vector.shape_cast %get3A_14 : vector<1x448x96xf32> to vector<448x96xf32>
    %mul3A_16 = arith.mulf %get3A_15, %get3A_15 : vector<448x96xf32>
    %reduce_sum3A_17 = arith.constant dense<0.000000e+00> : vector<448xf32>
    %reduce_sum3A_18 = vector.multi_reduction <add>, %mul3A_16, %reduce_sum3A_17 [1] : vector<448x96xf32> to vector<448xf32>
    %broadcast_in_dim3A_19 = vector.shape_cast %reduce_sum3A_18 : vector<448xf32> to vector<448x1xf32>
    %sqrt3A_20 = math.sqrt %broadcast_in_dim3A_19 : vector<448x1xf32>
    %max3A_21 = arith.constant 9.99999996E-13 : f32
    %max3A_22 = vector.broadcast %max3A_21 : f32 to vector<448x1xf32>
    %max3A_23 = arith.maximumf %sqrt3A_20, %max3A_22 : vector<448x1xf32>
    %div3A_24 = vector.broadcast %max3A_23 : vector<448x1xf32> to vector<448x96xf32>
    %div3A_25 = arith.divf %get3A_15, %div3A_24 : vector<448x96xf32>
    %mul3A_26 = arith.mulf %div3A_25, %div3A_25 : vector<448x96xf32>
    %reduce_sum3A_27 = arith.constant dense<0.000000e+00> : vector<448xf32>
    %reduce_sum3A_28 = vector.multi_reduction <add>, %mul3A_26, %reduce_sum3A_27 [1] : vector<448x96xf32> to vector<448xf32>
    %broadcast_in_dim3A_29 = vector.shape_cast %reduce_sum3A_28 : vector<448xf32> to vector<448x1xf32>
    %dot_general3A = arith.constant dense<0.000000e+00> : vector<448x3136xf32>
    %dot_general3A_30 = tpu.matmul %div3A_25, %div3A_7, %dot_general3A {dimension_numbers = #tpu.dot_dimension_numbers<[1], [0], [0], [1], [0, 0, 1, 1], [], []>, transpose_lhs_hint = false} : vector<448x96xf32>, vector<96x3136xf32>, vector<448x3136xf32> -> vector<448x3136xf32>
    %mul3A_31 = arith.constant -2.000000e+00 : f32
    %mul3A_32 = vector.broadcast %mul3A_31 : f32 to vector<448x3136xf32>
    %mul3A_33 = arith.mulf %mul3A_32, %dot_general3A_30 : vector<448x3136xf32>
    %add3A = vector.broadcast %broadcast_in_dim3A_29 : vector<448x1xf32> to vector<448x3136xf32>
    %add3A_34 = arith.addf %add3A, %mul3A_33 : vector<448x3136xf32>
    %broadcast_in_dim3A_35 = vector.shape_cast %reduce_sum3A_10 : vector<3136xf32> to vector<1x3136xf32>
    %add3A_36 = vector.broadcast %broadcast_in_dim3A_35 : vector<1x3136xf32> to vector<448x3136xf32>
    %add3A_37 = arith.addf %add3A_34, %add3A_36 : vector<448x3136xf32>
    %iota3A = tpu.iota {dimensions = array<i32: 1>} : vector<448x3136xi32>
    %reduce_min3A = arith.constant dense<0x7F800000> : vector<448xf32>
    %reduce_min3A_38 = vector.multi_reduction <minimumf>, %add3A_37, %reduce_min3A [1] : vector<448x3136xf32> to vector<448xf32>
    %broadcast_in_dim3A_39 = vector.shape_cast %reduce_min3A_38 : vector<448xf32> to vector<448x1xf32>
    %eq3A = vector.broadcast %broadcast_in_dim3A_39 : vector<448x1xf32> to vector<448x3136xf32>
    %eq3A_40 = arith.cmpf oeq, %add3A_37, %eq3A : vector<448x3136xf32>
    %jit3A = arith.constant 3136 : i32
    %broadcast_in_dim3A_41 = vector.broadcast %jit3A : i32 to vector<448x3136xi32>
    %select_n3A = arith.select %eq3A_40, %iota3A, %broadcast_in_dim3A_41 : vector<448x3136xi1>, vector<448x3136xi32>
    %reduce_min3A_42 = arith.constant dense<2147483647> : vector<448xi32>
    %reduce_min3A_43 = vector.multi_reduction <minsi>, %select_n3A, %reduce_min3A_42 [1] : vector<448x3136xi32> to vector<448xi32>
    %broadcast_in_dim3A_44 = vector.shape_cast %reduce_min3A_43 : vector<448xi32> to vector<448x1xi32>
    %eq3A_45 = vector.broadcast %broadcast_in_dim3A_44 : vector<448x1xi32> to vector<448x3136xi32>
    %eq3A_46 = arith.cmpi eq, %select_n3A, %eq3A_45 : vector<448x3136xi32>
    %jit3A_47 = arith.constant 3.000000e+38 : f32
    %broadcast_in_dim3A_48 = vector.broadcast %jit3A_47 : f32 to vector<448x3136xf32>
    %select_n3A_49 = arith.select %eq3A_46, %broadcast_in_dim3A_48, %add3A_37 : vector<448x3136xi1>, vector<448x3136xf32>
    %reduce_min3A_50 = arith.constant dense<0x7F800000> : vector<448xf32>
    %reduce_min3A_51 = vector.multi_reduction <minimumf>, %select_n3A_49, %reduce_min3A_50 [1] : vector<448x3136xf32> to vector<448xf32>
    %broadcast_in_dim3A_52 = vector.shape_cast %reduce_min3A_51 : vector<448xf32> to vector<448x1xf32>
    %eq3A_53 = vector.broadcast %broadcast_in_dim3A_52 : vector<448x1xf32> to vector<448x3136xf32>
    %eq3A_54 = arith.cmpf oeq, %select_n3A_49, %eq3A_53 : vector<448x3136xf32>
    %jit3A_55 = arith.constant 3136 : i32
    %broadcast_in_dim3A_56 = vector.broadcast %jit3A_55 : i32 to vector<448x3136xi32>
    %select_n3A_57 = arith.select %eq3A_54, %iota3A, %broadcast_in_dim3A_56 : vector<448x3136xi1>, vector<448x3136xi32>
    %reduce_min3A_58 = arith.constant dense<2147483647> : vector<448xi32>
    %reduce_min3A_59 = vector.multi_reduction <minsi>, %select_n3A_57, %reduce_min3A_58 [1] : vector<448x3136xi32> to vector<448xi32>
    %broadcast_in_dim3A_60 = vector.shape_cast %reduce_min3A_59 : vector<448xi32> to vector<448x1xi32>
    %eq3A_61 = vector.broadcast %broadcast_in_dim3A_60 : vector<448x1xi32> to vector<448x3136xi32>
    %eq3A_62 = arith.cmpi eq, %select_n3A_57, %eq3A_61 : vector<448x3136xi32>
    %jit3A_63 = arith.constant 3.000000e+38 : f32
    %broadcast_in_dim3A_64 = vector.broadcast %jit3A_63 : f32 to vector<448x3136xf32>
    %select_n3A_65 = arith.select %eq3A_62, %broadcast_in_dim3A_64, %select_n3A_49 : vector<448x3136xi1>, vector<448x3136xf32>
    %reduce_min3A_66 = arith.constant dense<0x7F800000> : vector<448xf32>
    %reduce_min3A_67 = vector.multi_reduction <minimumf>, %select_n3A_65, %reduce_min3A_66 [1] : vector<448x3136xf32> to vector<448xf32>
    %broadcast_in_dim3A_68 = vector.shape_cast %reduce_min3A_67 : vector<448xf32> to vector<448x1xf32>
    %eq3A_69 = vector.broadcast %broadcast_in_dim3A_68 : vector<448x1xf32> to vector<448x3136xf32>
    %eq3A_70 = arith.cmpf oeq, %select_n3A_65, %eq3A_69 : vector<448x3136xf32>
    %jit3A_71 = arith.constant 3136 : i32
    %broadcast_in_dim3A_72 = vector.broadcast %jit3A_71 : i32 to vector<448x3136xi32>
    %select_n3A_73 = arith.select %eq3A_70, %iota3A, %broadcast_in_dim3A_72 : vector<448x3136xi1>, vector<448x3136xi32>
    %reduce_min3A_74 = arith.constant dense<2147483647> : vector<448xi32>
    %reduce_min3A_75 = vector.multi_reduction <minsi>, %select_n3A_73, %reduce_min3A_74 [1] : vector<448x3136xi32> to vector<448xi32>
    %broadcast_in_dim3A_76 = vector.shape_cast %reduce_min3A_75 : vector<448xi32> to vector<448x1xi32>
    %eq3A_77 = vector.broadcast %broadcast_in_dim3A_76 : vector<448x1xi32> to vector<448x3136xi32>
    %eq3A_78 = arith.cmpi eq, %select_n3A_73, %eq3A_77 : vector<448x3136xi32>
    %jit3A_79 = arith.constant 3.000000e+38 : f32
    %broadcast_in_dim3A_80 = vector.broadcast %jit3A_79 : f32 to vector<448x3136xf32>
    %select_n3A_81 = arith.select %eq3A_78, %broadcast_in_dim3A_80, %select_n3A_65 : vector<448x3136xi1>, vector<448x3136xf32>
    %reduce_min3A_82 = arith.constant dense<0x7F800000> : vector<448xf32>
    %reduce_min3A_83 = vector.multi_reduction <minimumf>, %select_n3A_81, %reduce_min3A_82 [1] : vector<448x3136xf32> to vector<448xf32>
    %broadcast_in_dim3A_84 = vector.shape_cast %reduce_min3A_83 : vector<448xf32> to vector<448x1xf32>
    %eq3A_85 = vector.broadcast %broadcast_in_dim3A_84 : vector<448x1xf32> to vector<448x3136xf32>
    %eq3A_86 = arith.cmpf oeq, %select_n3A_81, %eq3A_85 : vector<448x3136xf32>
    %jit3A_87 = arith.constant 3136 : i32
    %broadcast_in_dim3A_88 = vector.broadcast %jit3A_87 : i32 to vector<448x3136xi32>
    %select_n3A_89 = arith.select %eq3A_86, %iota3A, %broadcast_in_dim3A_88 : vector<448x3136xi1>, vector<448x3136xi32>
    %reduce_min3A_90 = arith.constant dense<2147483647> : vector<448xi32>
    %reduce_min3A_91 = vector.multi_reduction <minsi>, %select_n3A_89, %reduce_min3A_90 [1] : vector<448x3136xi32> to vector<448xi32>
    %broadcast_in_dim3A_92 = vector.shape_cast %reduce_min3A_91 : vector<448xi32> to vector<448x1xi32>
    %eq3A_93 = vector.broadcast %broadcast_in_dim3A_92 : vector<448x1xi32> to vector<448x3136xi32>
    %eq3A_94 = arith.cmpi eq, %select_n3A_89, %eq3A_93 : vector<448x3136xi32>
    %jit3A_95 = arith.constant 3.000000e+38 : f32
    %broadcast_in_dim3A_96 = vector.broadcast %jit3A_95 : f32 to vector<448x3136xf32>
    %select_n3A_97 = arith.select %eq3A_94, %broadcast_in_dim3A_96, %select_n3A_81 : vector<448x3136xi1>, vector<448x3136xf32>
    %reduce_min3A_98 = arith.constant dense<0x7F800000> : vector<448xf32>
    %reduce_min3A_99 = vector.multi_reduction <minimumf>, %select_n3A_97, %reduce_min3A_98 [1] : vector<448x3136xf32> to vector<448xf32>
    %broadcast_in_dim3A_100 = vector.shape_cast %reduce_min3A_99 : vector<448xf32> to vector<448x1xf32>
    %eq3A_101 = vector.broadcast %broadcast_in_dim3A_100 : vector<448x1xf32> to vector<448x3136xf32>
    %eq3A_102 = arith.cmpf oeq, %select_n3A_97, %eq3A_101 : vector<448x3136xf32>
    %jit3A_103 = arith.constant 3136 : i32
    %broadcast_in_dim3A_104 = vector.broadcast %jit3A_103 : i32 to vector<448x3136xi32>
    %select_n3A_105 = arith.select %eq3A_102, %iota3A, %broadcast_in_dim3A_104 : vector<448x3136xi1>, vector<448x3136xi32>
    %reduce_min3A_106 = arith.constant dense<2147483647> : vector<448xi32>
    %reduce_min3A_107 = vector.multi_reduction <minsi>, %select_n3A_105, %reduce_min3A_106 [1] : vector<448x3136xi32> to vector<448xi32>
    %broadcast_in_dim3A_108 = vector.shape_cast %reduce_min3A_107 : vector<448xi32> to vector<448x1xi32>
    %eq3A_109 = vector.broadcast %broadcast_in_dim3A_108 : vector<448x1xi32> to vector<448x3136xi32>
    %eq3A_110 = arith.cmpi eq, %select_n3A_105, %eq3A_109 : vector<448x3136xi32>
    %jit3A_111 = arith.constant 3.000000e+38 : f32
    %broadcast_in_dim3A_112 = vector.broadcast %jit3A_111 : f32 to vector<448x3136xf32>
    %select_n3A_113 = arith.select %eq3A_110, %broadcast_in_dim3A_112, %select_n3A_97 : vector<448x3136xi1>, vector<448x3136xf32>
    %reduce_min3A_114 = arith.constant dense<0x7F800000> : vector<448xf32>
    %reduce_min3A_115 = vector.multi_reduction <minimumf>, %select_n3A_113, %reduce_min3A_114 [1] : vector<448x3136xf32> to vector<448xf32>
    %broadcast_in_dim3A_116 = vector.shape_cast %reduce_min3A_115 : vector<448xf32> to vector<448x1xf32>
    %eq3A_117 = vector.broadcast %broadcast_in_dim3A_116 : vector<448x1xf32> to vector<448x3136xf32>
    %eq3A_118 = arith.cmpf oeq, %select_n3A_113, %eq3A_117 : vector<448x3136xf32>
    %jit3A_119 = arith.constant 3136 : i32
    %broadcast_in_dim3A_120 = vector.broadcast %jit3A_119 : i32 to vector<448x3136xi32>
    %select_n3A_121 = arith.select %eq3A_118, %iota3A, %broadcast_in_dim3A_120 : vector<448x3136xi1>, vector<448x3136xi32>
    %reduce_min3A_122 = arith.constant dense<2147483647> : vector<448xi32>
    %reduce_min3A_123 = vector.multi_reduction <minsi>, %select_n3A_121, %reduce_min3A_122 [1] : vector<448x3136xi32> to vector<448xi32>
    %broadcast_in_dim3A_124 = vector.shape_cast %reduce_min3A_123 : vector<448xi32> to vector<448x1xi32>
    %eq3A_125 = vector.broadcast %broadcast_in_dim3A_124 : vector<448x1xi32> to vector<448x3136xi32>
    %eq3A_126 = arith.cmpi eq, %select_n3A_121, %eq3A_125 : vector<448x3136xi32>
    %jit3A_127 = arith.constant 3.000000e+38 : f32
    %broadcast_in_dim3A_128 = vector.broadcast %jit3A_127 : f32 to vector<448x3136xf32>
    %select_n3A_129 = arith.select %eq3A_126, %broadcast_in_dim3A_128, %select_n3A_113 : vector<448x3136xi1>, vector<448x3136xf32>
    %reduce_min3A_130 = arith.constant dense<0x7F800000> : vector<448xf32>
    %reduce_min3A_131 = vector.multi_reduction <minimumf>, %select_n3A_129, %reduce_min3A_130 [1] : vector<448x3136xf32> to vector<448xf32>
    %broadcast_in_dim3A_132 = vector.shape_cast %reduce_min3A_131 : vector<448xf32> to vector<448x1xf32>
    %eq3A_133 = vector.broadcast %broadcast_in_dim3A_132 : vector<448x1xf32> to vector<448x3136xf32>
    %eq3A_134 = arith.cmpf oeq, %select_n3A_129, %eq3A_133 : vector<448x3136xf32>
    %jit3A_135 = arith.constant 3136 : i32
    %broadcast_in_dim3A_136 = vector.broadcast %jit3A_135 : i32 to vector<448x3136xi32>
    %select_n3A_137 = arith.select %eq3A_134, %iota3A, %broadcast_in_dim3A_136 : vector<448x3136xi1>, vector<448x3136xi32>
    %reduce_min3A_138 = arith.constant dense<2147483647> : vector<448xi32>
    %reduce_min3A_139 = vector.multi_reduction <minsi>, %select_n3A_137, %reduce_min3A_138 [1] : vector<448x3136xi32> to vector<448xi32>
    %broadcast_in_dim3A_140 = vector.shape_cast %reduce_min3A_139 : vector<448xi32> to vector<448x1xi32>
    %eq3A_141 = vector.broadcast %broadcast_in_dim3A_140 : vector<448x1xi32> to vector<448x3136xi32>
    %eq3A_142 = arith.cmpi eq, %select_n3A_137, %eq3A_141 : vector<448x3136xi32>
    %jit3A_143 = arith.constant 3.000000e+38 : f32
    %broadcast_in_dim3A_144 = vector.broadcast %jit3A_143 : f32 to vector<448x3136xf32>
    %select_n3A_145 = arith.select %eq3A_142, %broadcast_in_dim3A_144, %select_n3A_129 : vector<448x3136xi1>, vector<448x3136xf32>
    %reduce_min3A_146 = arith.constant dense<0x7F800000> : vector<448xf32>
    %reduce_min3A_147 = vector.multi_reduction <minimumf>, %select_n3A_145, %reduce_min3A_146 [1] : vector<448x3136xf32> to vector<448xf32>
    %broadcast_in_dim3A_148 = vector.shape_cast %reduce_min3A_147 : vector<448xf32> to vector<448x1xf32>
    %eq3A_149 = vector.broadcast %broadcast_in_dim3A_148 : vector<448x1xf32> to vector<448x3136xf32>
    %eq3A_150 = arith.cmpf oeq, %select_n3A_145, %eq3A_149 : vector<448x3136xf32>
    %jit3A_151 = arith.constant 3136 : i32
    %broadcast_in_dim3A_152 = vector.broadcast %jit3A_151 : i32 to vector<448x3136xi32>
    %select_n3A_153 = arith.select %eq3A_150, %iota3A, %broadcast_in_dim3A_152 : vector<448x3136xi1>, vector<448x3136xi32>
    %reduce_min3A_154 = arith.constant dense<2147483647> : vector<448xi32>
    %reduce_min3A_155 = vector.multi_reduction <minsi>, %select_n3A_153, %reduce_min3A_154 [1] : vector<448x3136xi32> to vector<448xi32>
    %broadcast_in_dim3A_156 = vector.shape_cast %reduce_min3A_155 : vector<448xi32> to vector<448x1xi32>
    %eq3A_157 = vector.broadcast %broadcast_in_dim3A_156 : vector<448x1xi32> to vector<448x3136xi32>
    %eq3A_158 = arith.cmpi eq, %select_n3A_153, %eq3A_157 : vector<448x3136xi32>
    %jit3A_159 = arith.constant 3.000000e+38 : f32
    %broadcast_in_dim3A_160 = vector.broadcast %jit3A_159 : f32 to vector<448x3136xf32>
    %select_n3A_161 = arith.select %eq3A_158, %broadcast_in_dim3A_160, %select_n3A_145 : vector<448x3136xi1>, vector<448x3136xf32>
    %reduce_min3A_162 = arith.constant dense<0x7F800000> : vector<448xf32>
    %reduce_min3A_163 = vector.multi_reduction <minimumf>, %select_n3A_161, %reduce_min3A_162 [1] : vector<448x3136xf32> to vector<448xf32>
    %broadcast_in_dim3A_164 = vector.shape_cast %reduce_min3A_163 : vector<448xf32> to vector<448x1xf32>
    %eq3A_165 = vector.broadcast %broadcast_in_dim3A_164 : vector<448x1xf32> to vector<448x3136xf32>
    %eq3A_166 = arith.cmpf oeq, %select_n3A_161, %eq3A_165 : vector<448x3136xf32>
    %jit3A_167 = arith.constant 3136 : i32
    %broadcast_in_dim3A_168 = vector.broadcast %jit3A_167 : i32 to vector<448x3136xi32>
    %select_n3A_169 = arith.select %eq3A_166, %iota3A, %broadcast_in_dim3A_168 : vector<448x3136xi1>, vector<448x3136xi32>
    %reduce_min3A_170 = arith.constant dense<2147483647> : vector<448xi32>
    %reduce_min3A_171 = vector.multi_reduction <minsi>, %select_n3A_169, %reduce_min3A_170 [1] : vector<448x3136xi32> to vector<448xi32>
    %stack3A = vector.shape_cast %reduce_min3A_43 : vector<448xi32> to vector<448x1xi32>
    %stack3A_172 = vector.shape_cast %reduce_min3A_59 : vector<448xi32> to vector<448x1xi32>
    %stack3A_173 = vector.shape_cast %reduce_min3A_75 : vector<448xi32> to vector<448x1xi32>
    %stack3A_174 = vector.shape_cast %reduce_min3A_91 : vector<448xi32> to vector<448x1xi32>
    %stack3A_175 = vector.shape_cast %reduce_min3A_107 : vector<448xi32> to vector<448x1xi32>
    %stack3A_176 = vector.shape_cast %reduce_min3A_123 : vector<448xi32> to vector<448x1xi32>
    %stack3A_177 = vector.shape_cast %reduce_min3A_139 : vector<448xi32> to vector<448x1xi32>
    %stack3A_178 = vector.shape_cast %reduce_min3A_155 : vector<448xi32> to vector<448x1xi32>
    %stack3A_179 = vector.shape_cast %reduce_min3A_171 : vector<448xi32> to vector<448x1xi32>
    %stack3A_180 = tpu.concatenate %stack3A, %stack3A_172, %stack3A_173, %stack3A_174, %stack3A_175, %stack3A_176, %stack3A_177, %stack3A_178, %stack3A_179 in 1 : vector<448x1xi32>, vector<448x1xi32>, vector<448x1xi32>, vector<448x1xi32>, vector<448x1xi32>, vector<448x1xi32>, vector<448x1xi32>, vector<448x1xi32>, vector<448x1xi32> -> vector<448x9xi32>
    %mul3A_181 = arith.constant 3136 : i32
    %mul3A_182 = arith.muli %arg0, %mul3A_181 : i32
    %add3A_183 = vector.broadcast %mul3A_182 : i32 to vector<448x9xi32>
    %add3A_184 = arith.addi %stack3A_180, %add3A_183 : vector<448x9xi32>
    %swap3A = arith.constant 0 : index
    %swap3A_185 = arith.constant 0 : index
    %swap3A_186 = arith.constant 0 : index
    %swap3A_187 = vector.load %arg4[%swap3A, %swap3A_185, %swap3A_186] : memref<1x448x9xi32, #tpu.memory_space<vmem>>, vector<1x448x9xi32>
    %swap3A_188 = vector.shape_cast %swap3A_187 : vector<1x448x9xi32> to vector<448x9xi32>
    %swap3A_189 = vector.shape_cast %add3A_184 : vector<448x9xi32> to vector<1x448x9xi32>
    tpu.vector_store %arg4[%swap3A, %swap3A_185, %swap3A_186], %swap3A_189 {strides = array<i32>} : memref<1x448x9xi32, #tpu.memory_space<vmem>>, vector<1x448x9xi32>,
    return
  }
  func.func @transform_0(%arg0: i32, %arg1: i32) -> (i32, i32, i32) {
    %c0_i32 = arith.constant 0 : i32
    %c0_i32_0 = arith.constant 0 : i32
    return %arg0, %arg1, %c0_i32 : i32, i32, i32
  }
  func.func @transform_1(%arg0: i32, %arg1: i32) -> (i32, i32, i32) {
    %c0_i32 = arith.constant 0 : i32
    %c0_i32_0 = arith.constant 0 : i32
    %c0_i32_1 = arith.constant 0 : i32
    return %arg0, %c0_i32, %c0_i32_0 : i32, i32, i32
  }
  func.func @transform_2(%arg0: i32, %arg1: i32) -> (i32, i32, i32) {
    %c0_i32 = arith.constant 0 : i32
    %c0_i32_0 = arith.constant 0 : i32
    return %arg0, %arg1, %c0_i32 : i32, i32, i32
  }
}

module attributes {stable_mosaic.version = 14 : i64} {
  func.func @_conv_body(%arg0: i32, %arg1: memref<1x3136x96xf32, #tpu.memory_space<vmem>>, %arg2: memref<1x3136x96xf32, #tpu.memory_space<vmem>>, %arg3: memref<96x192xf32, #tpu.memory_space<vmem>>, %arg4: memref<96x192xf32, #tpu.memory_space<vmem>>, %arg5: memref<1x192xf32, #tpu.memory_space<vmem>>, %arg6: memref<1x3136x192xf32, #tpu.memory_space<vmem>>) attributes {dimension_semantics = [#tpu.dimension_semantics<arbitrary>], iteration_bounds = array<i64: 4>, scalar_prefetch = 0 : i64, scratch_operands = 0 : i64, tpu.core_type = #tpu.core_type<tc>, window_params = [{transform_indices = @transform_0, window_bounds = array<i64: 1, 3136, 96>}, {transform_indices = @transform_1, window_bounds = array<i64: 1, 3136, 96>}, {pipeline_mode = #tpu.pipeline_mode<synchronous>, transform_indices = @transform_2, window_bounds = array<i64: 96, 192>}, {pipeline_mode = #tpu.pipeline_mode<synchronous>, transform_indices = @transform_3, window_bounds = array<i64: 96, 192>}, {pipeline_mode = #tpu.pipeline_mode<synchronous>, transform_indices = @transform_4, window_bounds = array<i64: 1, 192>}, {transform_indices = @transform_5, window_bounds = array<i64: 1, 3136, 192>}]} {
    %get3A = arith.constant 0 : index
    %get3A_0 = arith.constant 0 : index
    %get3A_1 = arith.constant 0 : index
    %get3A_2 = vector.load %arg1[%get3A, %get3A_0, %get3A_1] : memref<1x3136x96xf32, #tpu.memory_space<vmem>>, vector<1x3136x96xf32>
    %get3A_3 = vector.shape_cast %get3A_2 : vector<1x3136x96xf32> to vector<3136x96xf32>
    %get3A_4 = arith.constant 0 : index
    %get3A_5 = arith.constant 0 : index
    %get3A_6 = vector.load %arg3[%get3A_4, %get3A_5] : memref<96x192xf32, #tpu.memory_space<vmem>>, vector<96x192xf32>
    %dot_general3A = arith.constant dense<0.000000e+00> : vector<3136x192xf32>
    %dot_general3A_7 = tpu.matmul %get3A_3, %get3A_6, %dot_general3A {dimension_numbers = #tpu.dot_dimension_numbers<[1], [0], [0], [1], [0, 0, 1, 1], [], []>, transpose_lhs_hint = false} : vector<3136x96xf32>, vector<96x192xf32>, vector<3136x192xf32> -> vector<3136x192xf32>
    %get3A_8 = arith.constant 0 : index
    %get3A_9 = arith.constant 0 : index
    %get3A_10 = arith.constant 0 : index
    %get3A_11 = vector.load %arg2[%get3A_8, %get3A_9, %get3A_10] : memref<1x3136x96xf32, #tpu.memory_space<vmem>>, vector<1x3136x96xf32>
    %get3A_12 = vector.shape_cast %get3A_11 : vector<1x3136x96xf32> to vector<3136x96xf32>
    %get3A_13 = arith.constant 0 : index
    %get3A_14 = arith.constant 0 : index
    %get3A_15 = vector.load %arg4[%get3A_13, %get3A_14] : memref<96x192xf32, #tpu.memory_space<vmem>>, vector<96x192xf32>
    %dot_general3A_16 = arith.constant dense<0.000000e+00> : vector<3136x192xf32>
    %dot_general3A_17 = tpu.matmul %get3A_12, %get3A_15, %dot_general3A_16 {dimension_numbers = #tpu.dot_dimension_numbers<[1], [0], [0], [1], [0, 0, 1, 1], [], []>, transpose_lhs_hint = false} : vector<3136x96xf32>, vector<96x192xf32>, vector<3136x192xf32> -> vector<3136x192xf32>
    %add3A = arith.addf %dot_general3A_7, %dot_general3A_17 : vector<3136x192xf32>
    %get3A_18 = arith.constant 0 : index
    %get3A_19 = arith.constant 0 : index
    %get3A_20 = vector.load %arg5[%get3A_18, %get3A_19] : memref<1x192xf32, #tpu.memory_space<vmem>>, vector<1x192xf32>
    %add3A_21 = vector.broadcast %get3A_20 : vector<1x192xf32> to vector<3136x192xf32>
    %add3A_22 = arith.addf %add3A, %add3A_21 : vector<3136x192xf32>
    %max3A = arith.constant 0.000000e+00 : f32
    %max3A_23 = vector.broadcast %max3A : f32 to vector<3136x192xf32>
    %max3A_24 = arith.maximumf %add3A_22, %max3A_23 : vector<3136x192xf32>
    %swap3A = arith.constant 0 : index
    %swap3A_25 = arith.constant 0 : index
    %swap3A_26 = arith.constant 0 : index
    %swap3A_27 = vector.load %arg6[%swap3A, %swap3A_25, %swap3A_26] : memref<1x3136x192xf32, #tpu.memory_space<vmem>>, vector<1x3136x192xf32>
    %swap3A_28 = vector.shape_cast %swap3A_27 : vector<1x3136x192xf32> to vector<3136x192xf32>
    %swap3A_29 = vector.shape_cast %max3A_24 : vector<3136x192xf32> to vector<1x3136x192xf32>
    tpu.vector_store %arg6[%swap3A, %swap3A_25, %swap3A_26], %swap3A_29 {strides = array<i32>} : memref<1x3136x192xf32, #tpu.memory_space<vmem>>, vector<1x3136x192xf32>,
    return
  }
  func.func @transform_0(%arg0: i32) -> (i32, i32, i32) {
    %c0_i32 = arith.constant 0 : i32
    %c0_i32_0 = arith.constant 0 : i32
    %c0_i32_1 = arith.constant 0 : i32
    return %arg0, %c0_i32, %c0_i32_0 : i32, i32, i32
  }
  func.func @transform_1(%arg0: i32) -> (i32, i32, i32) {
    %c0_i32 = arith.constant 0 : i32
    %c0_i32_0 = arith.constant 0 : i32
    %c0_i32_1 = arith.constant 0 : i32
    return %arg0, %c0_i32, %c0_i32_0 : i32, i32, i32
  }
  func.func @transform_2(%arg0: i32) -> (i32, i32) {
    %c0_i32 = arith.constant 0 : i32
    %c0_i32_0 = arith.constant 0 : i32
    %c0_i32_1 = arith.constant 0 : i32
    return %c0_i32, %c0_i32_0 : i32, i32
  }
  func.func @transform_3(%arg0: i32) -> (i32, i32) {
    %c0_i32 = arith.constant 0 : i32
    %c0_i32_0 = arith.constant 0 : i32
    %c0_i32_1 = arith.constant 0 : i32
    return %c0_i32, %c0_i32_0 : i32, i32
  }
  func.func @transform_4(%arg0: i32) -> (i32, i32) {
    %c0_i32 = arith.constant 0 : i32
    %c0_i32_0 = arith.constant 0 : i32
    %c0_i32_1 = arith.constant 0 : i32
    return %c0_i32, %c0_i32_0 : i32, i32
  }
  func.func @transform_5(%arg0: i32) -> (i32, i32, i32) {
    %c0_i32 = arith.constant 0 : i32
    %c0_i32_0 = arith.constant 0 : i32
    %c0_i32_1 = arith.constant 0 : i32
    return %arg0, %c0_i32, %c0_i32_0 : i32, i32, i32
  }
}

</mosaic_0001>

<sc_bundles>
// kernel: kernel.5.cloned.1.call-start
scs
__scs_entry_jumppad:
0x0: {  	(pc) =	sbr.rel $0x88, $3  }
0x1: {  	(tag) =	ssettag $0x0;
	lr =	simm.s32 $0x1  }
0x2: {  	[smem:$0x3F9E] =	sst lr;
	_ =	strace $0xD0000000  }
0x3: {  	_ = 	snop  }
0x4: {  	_ = 	snop  }
0x5: {  	_ = 	snop  }
0x6: {  	_ = 	snop  }
0x7: {  	_ = 	snop  }
__scs_overlays_trampoline_lowered:
0x8: {  	[smem:$0x3FAD] =	sst s0  }
0x9: {  	[smem:$0x3FAE] =	sst s1  }
0xa: {  	[smem:$0x3FAF] =	sst s2  }
0xb: {  	[smem:$0x3FB0] =	sst s3  }
0xc: {  	[smem:$0x3FB1] =	sst s4  }
0xd: {  	[smem:$0x3FB2] =	sst s5  }
0xe: {  	[smem:$0x3FB3] =	sst s6  }
0xf: {  	[smem:$0x3FB4] =	sst s7  }
0x10: {  	[smem:$0x3FB5] =	sst s8  }
0x11: {  	[smem:$0x3FB6] =	sst s9;
	s0 =	simm.s32 @!p0 $0x0  }
0x12: {  	s1 =	sld [smem:$0x3F9C];
	s0 =	simm.s32 @p0 $0x1  }
0x13: {  	[smem:$0x3FB7] =	sst s0;
	s0 =	simm.s32 @!p1 $0x0  }
0x14: {  	s2 =	sld [smem:$0x3F9B];
	s0 =	simm.s32 @p1 $0x1  }
0x15: {  	[smem:$0x3FB8] =	sst s0;
	s0 =	simm.s32 @!p2 $0x0  }
0x16: {  	s3 =	sld [smem:$0x3FDB];
	s0 =	simm.s32 @p2 $0x1  }
0x17: {  	s4 =	simm.s32 $0x1BF5;
	[smem:$0x3FBA] =	sst s0  }
0x18: {  	s0 =	sld [smem:$0x3F9D];
	_ =	swait.ge [sflag:s4], $0x0  }
0x19: {  	s7 =	sld [smem:$0x3F9E]  }
0x1a: {  	s8 =	sadd.s32 $0xFFFFE003, lr  }
0x1b: {  	s9 =	sadd.s32 $0xFFFFFEF7, lr;
	s5 =	simm.s32 $0xFFFFFFFF;
	p2 =	slt.u32 s8, $0xFFFFF086  }
0x1c: {  	p1 =	slt.u32 s9, $0xF7A;
	s5 =	simm.s32 @!p2 $0x0  }
0x1d: {  	s5 =	simm.s32 @p1 $0x1;
	p0 =	seq.s32 s7, s2  }
0x1e: {  	s7 =	smul.u32 @!p0 $0xF7A, s2;
	p2 =	seq.s32 @!p0 s5, $0x0  }
0x1f: {  	s9 =	smul.u32 $0xF7A, s1;
	s8 =	simm.s32 @!p0 $0x1BF5;
	p2 =	por !p2, p0  }
0x20: {  	[sflag:s8] =	ssyncset.s32 @!p0 $0xFFFFF086;
	s6 =	sadd.s32 @!p0 s3, s7;
	s7 =	simm.s32 @!p0 $0x108  }
0x21: {  	s3 =	sadd.s32 s3, s9;
	s6 =	sadd.s32 @!p0 $0x88, s6;
	s7 =	simm.s32 @p2 $0x1082  }
0x22: {  	[simem:s7], [sflag:s8] =	dma.local @!p0 [hbm:s6], $0xF7A  }
0x23: {  	s9 =	sor.u32 $0xD0000000, s2;
	s6 =	simm.s32 $0x108;
	_ =	swait.ge @!p0 [sflag:s8], $0x0  }
0x24: {  	s3 =	sadd.s32 $0x88, s3;
	s6 =	simm.s32 @!p1 $0x1082;
	[sflag:s4] =	ssyncset.s32 $0xFFFFF086  }
0x25: {  	[simem:s6], [sflag:s4] =	dma.local [hbm:s3], $0xF7A  }
0x26: {  	[smem:$0x3F9E] =	sst s1;
	(tag) =	ssettag s2;
	_ =	strace s9  }
0x27: {  	s1 =	sld [smem:$0x3FAE]  }
0x28: {  	s2 =	sld [smem:$0x3FAF]  }
0x29: {  	s4 =	sld [smem:$0x3FB1]  }
0x2a: {  	p0 =	seq.s32 s5, $0x0;
	s5 =	sld [smem:$0x3FB2]  }
0x2b: {  	s6 =	sld [smem:$0x3FB3]  }
0x2c: {  	s7 =	sld [smem:$0x3FB4]  }
0x2d: {  	s3 =	simm.s32 $0x108;
	s8 =	sld [smem:$0x3FB5]  }
0x2e: {  	s3 =	simm.s32 @!p0 $0x1082;
	s9 =	sld [smem:$0x3FB6]  }
0x2f: {  	lr =	sadd.s32 s0, s3;
	s0 =	sld [smem:$0x3FAD]  }
0x30: {  	s3 =	sld [smem:$0x3FB0]  }
0x31: {  	[smem:$0x3FB9] =	sst s10  }
0x32: {  	s10 =	sld [smem:$0x3FB7];
	_ =	sdelay $0x3  }
0x33: {  	p0 =	seq.s32 s10, $0x1;
	s10 =	sld [smem:$0x3FB9];
	_ =	sdelay $0x3  }
0x34: {  	[smem:$0x3FB9] =	sst s10  }
0x35: {  	s10 =	sld [smem:$0x3FB8];
	_ =	sdelay $0x3  }
0x36: {  	p1 =	seq.s32 s10, $0x1;
	s10 =	sld [smem:$0x3FB9];
	_ =	sdelay $0x3  }
0x37: {  	[smem:$0x3FB9] =	sst s10  }
0x38: {  	s10 =	sld [smem:$0x3FBA]  }
0x39: {  	_ = 	snop;
	(pc) =	sbr.ind lr, $3  }
0x3a: {  	_ = 	snop  }
0x3b: {  	_ = 	snop  }
0x3c: {  	p2 =	seq.s32 s10, $0x1;
	s10 =	sld [smem:$0x3FB9]  }
0x3d: {  	_ =	shalt  }
0x3e: {  	_ =	shalt  }
0x3f: {  	_ =	shalt  }
0x40: {  	_ =	shalt  }
0x41: {  	_ =	shalt  }
0x42: {  	_ =	shalt  }
0x43: {  	_ =	shalt  }
0x44: {  	_ =	shalt  }
0x45: {  	_ =	shalt  }
0x46: {  	_ =	shalt  }
0x47: {  	_ =	shalt  }
0x48: {  	_ =	shalt  }
0x49: {  	_ =	shalt  }
0x4a: {  	_ =	shalt  }
0x4b: {  	_ =	shalt  }
0x4c: {  	_ =	shalt  }
0x4d: {  	_ =	shalt  }
0x4e: {  	_ =	shalt  }
0x4f: {  	_ =	shalt  }
0x50: {  	_ =	shalt  }
0x51: {  	_ =	shalt  }
0x52: {  	_ =	shalt  }
0x53: {  	_ =	shalt  }
0x54: {  	_ =	shalt  }
0x55: {  	_ =	shalt  }
0x56: {  	_ =	shalt  }
0x57: {  	_ =	shalt  }
0x58: {  	_ =	shalt  }
0x59: {  	_ =	shalt  }
0x5a: {  	_ =	shalt  }
0x5b: {  	_ =	shalt  }
0x5c: {  	_ =	shalt  }
0x5d: {  	_ =	shalt  }
0x5e: {  	_ =	shalt  }
0x5f: {  	_ =	shalt  }
0x60: {  	_ =	shalt  }
0x61: {  	_ =	shalt  }
0x62: {  	_ =	shalt  }
0x63: {  	_ =	shalt  }
0x64: {  	_ =	shalt  }
0x65: {  	_ =	shalt  }
0x66: {  	_ =	shalt  }
0x67: {  	_ =	shalt  }
0x68: {  	_ =	shalt  }
0x69: {  	_ =	shalt  }
0x6a: {  	_ =	shalt  }
0x6b: {  	_ =	shalt  }
0x6c: {  	_ =	shalt  }
0x6d: {  	_ =	shalt  }
0x6e: {  	_ =	shalt  }
0x6f: {  	_ =	shalt  }
0x70: {  	_ =	shalt  }
0x71: {  	_ =	shalt  }
0x72: {  	_ =	shalt  }
0x73: {  	_ =	shalt  }
0x74: {  	_ =	shalt  }
0x75: {  	_ =	shalt  }
0x76: {  	_ =	shalt  }
0x77: {  	_ =	shalt  }
0x78: {  	_ =	shalt  }
0x79: {  	_ =	shalt  }
0x7a: {  	_ =	shalt  }
0x7b: {  	_ =	shalt  }
0x7c: {  	_ =	shalt  }
0x7d: {  	_ =	shalt  }
0x7e: {  	_ =	shalt  }
0x7f: {  	_ =	shalt  }
0x80: {  	_ =	shalt  }
0x81: {  	_ =	shalt  }
0x82: {  	_ =	shalt  }
0x83: {  	_ =	shalt  }
0x84: {  	_ =	shalt  }
0x85: {  	_ =	shalt  }
0x86: {  	_ =	shalt  }
0x87: {  	_ =	shalt  }
.Lfunc_end0:
.L_simem_size_0:
called_computation_lowered:
.L_overlay_start_0:
0x88: {  	s2 =	sld [smem:$0x3FD9]  }
0x89: {  	s3 =	sld [smem:$0x3FFE];
	_ =	sdelay $0x1  }
0x8a: {  	s1 =	srdreg.scid  }
0x8b: {  	s0 =	sand.u32 $0x1, s1  }
0x8c: {  	s17 =	sshll.u32 s0, $0xA;
	s2 =	sadd.s32 s3, s2  }
0x8d: {  	s2 =	sadd.s32 s2, s17  }
0x8e: {  	[smem:$0x3FC5] =	sst s2  }
0x8f: {  	_ = 	snop  }
0x90: {  	s2 =	sld [smem:$0x3FC9]  }
0x91: {  	s18 =	sld [smem:$0x3FD0];
	(tm) =	ssettm $0x1  }
0x92: {  	s4 =	sld [smem:$0x3FFB];
	_ =	sdelay $0x3  }
0x93: {  	_ =	strace s4  }
0x94: {  	s4 =	sld [smem:$0x3FFC];
	_ =	sdelay $0x3  }
0x95: {  	_ =	strace s4  }
0x96: {  	s4 =	sld [smem:$0x3FFD];
	_ =	sdelay $0x3  }
0x97: {  	_ =	strace s4  }
0x98: {  	_ =	strace $0x8FFFFFFF  }
0x99: {  	s19 =	sld [smem:$0x3FDB];
	_ =	sdelay $0x1  }
0x9a: {  	s5 =	simm.s32 $_scs_section_size  }
0x9b: {  	s6 =	simm.s32 $_size__tile_overlayer_lowered;
	s7 =	simm.s32 $_tile_overlayer_lowered  }
0x9c: {  	s22 =	simm.s32 $0x1BFF;
	s21 =	sshll.u32 s7, $0x1;
	s4 =	sadd.s32 s5, s19  }
0x9d: {  	s8 =	simm.s32 $0x0;
	s20 =	sshll.u32 s6, $0x1;
	s6 =	sadd.s32 s21, s4  }
0x9e: {  	[timem:s8], [sflag:s22] =	dma.local [hbm:s6], s20  }
0x9f: {  	_ =	swait.ge [sflag:s22], s20  }
0xa0: {  	s5 =	ssub.s32 $0x0, s20;
	[sflag:s22] =	ssyncset.done $0x0  }
0xa1: {  	[sflag:s22] =	ssyncadd.s32 s5;
	_ =	sdelay $0x1  }
0xa2: {  	s23 =	simm.s32 $0x1B8B  }
0xa3: {  	_ =	swait.ge [sflag:s23], $0x1  }
0xa4: {  	[sflag:s23] =	ssyncset.done $0x0  }
0xa5: {  	s25 =	simm.s32 $0x1B8E;
	s24 =	sld [smem:$0x3FFE];
	[sflag:s23] =	ssyncadd.s32 $0xFFFFFFFF  }
0xa6: {  	s26 =	simm.s32 $execute0_lowered;
	[smem:$0x3FD2] =	sst s25  }
0xa7: {  	s6 =	sshll.u32 s26, $0x1;
	_ =	strace $0x80000046;
	[dreg:$0x1] =	wrdreg $0xFFFFFFFF  }
0xa8: {  	s28 =	simm.s32 $_size_execute0_lowered;
	s4 =	sadd.s32 s4, s6;
	[dreg:$0x0] =	wrdreg $0x0  }
0xa9: {  	s6 =	sshll.u32 s28, $0x1;
	[dreg:$0x2] =	wrdreg s4  }
0xaa: {  	[dreg:$0x3] =	wrdreg s6  }
0xab: {  	[dreg:$0x4] =	wrdreg $0xC0  }
0xac: {  	_ =	task [dreg:s8], $0x5FFFF  }
0xad: {  	[dreg:$0x1] =	wrdreg $0xFFFFFFFF  }
0xae: {  	[dreg:$0x0] =	wrdreg $0x60  }
0xaf: {  	[dreg:$0x2] =	wrdreg s2  }
0xb0: {  	[dreg:$0x3] =	wrdreg s18  }
0xb1: {  	[dreg:$0x4] =	wrdreg s24  }
0xb2: {  	[dreg:$0x5] =	wrdreg $0x9  }
0xb3: {  	_ =	task.clear_ibuf [dreg:s8], $0x6FFFF;
	_ =	strace $0x90000046  }
0xb4: {  	s29 =	simm.s32 $0x9;
	_ =	strace $0x80000048  }
0xb5: {  	_ =	swait.ge [sflag:s29], $0x1  }
0xb6: {  	[sflag:s29] =	ssyncadd.s32 $0xFFFFFFFF  }
0xb7: {  	_ =	strace $0x90000048  }
0xb8: {  	_ =	sfence  }
0xb9: {  	s30 =	sld [smem:$0x0];
	_ =	sdelay $0x2  }
0xba: {  	s31 =	sshll.u32 s1, $0xD;
	s1 =	sshrl.u32 s1, $0x2  }
0xbb: {  	s3 =	sand.u32 $0x4000, s31;
	s1 =	sadd.s32 s1, s30  }
0xbc: {  	s0 =	sor.u32 s3, s0;
	s1 =	sshll.u32 s1, $0x11  }
0xbd: {  	s0 =	sor.u32 s1, s0  }
0xbe: {  	s0 =	sadd.s32 $0x8F2B, s0  }
0xbf: {  	[sflag:s0] =	ssyncadd.remote.s32 $0x1  }
0xc0: {  	_ =	sfence.sel $0xFFFF  }
0xc1: {  	[dreg:$0x0] =	wrdreg $0xFFFFFFFF;
	(pc) =	sbr.abs _section_cstart, $3  }
0xc2: {  	[dreg:$0x1] =	wrdreg $0xFFFFFFFF  }
0xc3: {  	_ =	task.clear_ibuf [dreg:s8], $0x2FFFF;
	_ =	strace $0x9FFFFFFF  }
0xc4: {  	(tm) =	ssettm $0x7FFFFFFF  }
0xc5: {  	_ =	shalt  }
tec
execute0_lowered:
.L_overlay_start_1:
0x0: {  	(tag) =	ssettag $0x1  }
0x1: {  	s5 =	rddreg [dreg:$0x0]  }
0x2: {  	s1 =	srdreg.scid;
	s2 =	rddreg [dreg:$0x1]  }
0x3: {  	s0 =	stileid.u32;
	s6 =	rddreg [dreg:$0x2];
	s3 =	simm.s32 $0x0  }
0x4: {  	s10 =	simm.s32 $0x48;
	s4 =	sand.u32 $0x1, s1;
	s31 =	sshll.u32 s0, $0x1  }
0x5: {  	s11 =	simm.s32 $0x19600;
	s12 =	simm.s32 $0x1;
	s7 =	sor.u32 s4, s31  }
0x6: {  	s13 =	simm.s32 $0xD200;
	s14 =	simm.s32 $0x0;
	s8 =	smul.u32 $0x1B9, s7  }
0x7: {  	[smem:$0x7FF] =	sst s3;
	s4 =	ssub.s32 $0x2, s4;
	s7 =	smul.u32 $0x1880, s7  }
0x8: {  	s1 =	rddreg [dreg:$0x3];
	_ =	strace $0x80000047;
	s9 =	sshrl.u32 s4, $0x1  }
0x9: {  	s9 =	ssub.s32 s4, s9;
	s8 =	sadd.s32 s8, s6;
	s6 =	sadd.s32 s7, s6  }
0xa: {  	s5 =	sadd.s32 s5, s7;
	s7 =	smax.u32 s9, $0x1;
	s9 =	simm.s32 $0xE00  }
0xb: {  	s4 =	sadd.s32 $0x1400, s8;
	s6 =	sadd.s32 $0x4C00, s6;
	s8 =	simm.s32 $0x2  }
.LBB2_1:
0xc: {  	[tilespmem:s3], [sflag:$0x2] =	stream.linear.gather [hbm4b:s4+s3], $0xDC8, $0x38;
	[tilespmem:$0x1BA00] =	vst v63  }
0xd: {  	_ =	swait.ge [sflag:s8], $0xDC8  }
0xe: {  	[sflag:s8] =	ssyncset.done $0x0  }
0xf: {  	[sflag:s8] =	ssyncadd.s32 $0xFFFFF238  }
0x10: {  	[tilespmem:s9], [sflag:$0x2] =	stream.linear.gather [hbm4b:s5+s3], $0xC400, $0x38;
	[tilespmem:$0x1BA00] =	vst v63  }
0x11: {  	_ =	swait.ge [sflag:s8], $0xC400  }
0x12: {  	s15 =	simm.s32 $0xD230;
	[sflag:s8] =	ssyncset.done $0x0  }
0x13: {  	s16 =	simm.s32 $0xE30;
	s17 =	simm.s32 $0x0;
	[sflag:s8] =	ssyncadd.s32 $0xFFFF3C00  }
.LBB2_2:
0x14: {  	s18 =	smul.u32 $0x120, s17;
	_ =	sdelay $0x1  }
0x15: {  	s18 =	sshra.s32 s18, $0x2  }
0x16: {  	[tilespmem:s11], [sflag:$0x1] =	stream.indirect.gather [hbm4b:s2+s10], $0x80, s18, s10, $0xb8;
	[tilespmem:$0x1BA00] =	vst v63  }
0x17: {  	_ =	swait.ge [sflag:s12], $0x2400  }
0x18: {  	[sflag:s12] =	ssyncset.done $0x0  }
0x19: {  	s18 =	simm.s32 $0x19830;
	[sflag:s12] =	ssyncadd.s32 $0xFFFFDC00  }
0x1a: {  	v1 =	vld [tilespmem:s18+$0xFFFFFDD0]  }
0x1b: {  	v2 =	vld [tilespmem:s18+$0xFFFFFE50]  }
0x1c: {  	v3 =	vld [tilespmem:s18+$0xFFFFFED0]  }
0x1d: {  	v4 =	vld [tilespmem:s18+$0xFFFFFF50]  }
0x1e: {  	v0 =	vmov s16;
	v5 =	vld [tilespmem:s18+$0xFFFFFFD0]  }
0x1f: {  	v6 =	vld [tilespmem:s18+$0x50]  }
0x20: {  	v1 =	vmax.f32 v1, v2;
	v2 =	vld [tilespmem:s18+$0xD0]  }
0x21: {  	v1 =	vmax.f32 v1, v3;
	v3 =	vld [tilespmem:s18+$0x150]  }
0x22: {  	s19 =	simm.s32 $0x0;
	v1 =	vmax.f32 v1, v4;
	v4 =	vld [tilespmem:s18+$0x1D0]  }
0x23: {  	v7 =	vld.idx.msk [tilespmem:v0+s19+$0xFFFFFFD0 ss:$0x1], $0xffff;
	v1 =	vmax.f32 v1, v5  }
0x24: {  	v5 =	vmax.f32 v1, v6  }
0x25: {  	v1 =	vmov s15;
	v2 =	vmax.f32 v5, v2  }
0x26: {  	v2 =	vmax.f32 v2, v3  }
0x27: {  	v2 =	vmax.f32 v2, v4  }
0x28: {  	v2 =	vsub.f32 v2, v7;
	_ =	sdelay $0x1  }
0x29: {  	[tilespmem:v1+s19+$0xFFFFFFD0 ss:$0x1] =	vst.idx.msk $0xffff, v2  }
0x2a: {  	v2 =	vld [tilespmem:s18+$0xFFFFFDE0]  }
0x2b: {  	v3 =	vld [tilespmem:s18+$0xFFFFFE60]  }
0x2c: {  	v4 =	vld [tilespmem:s18+$0xFFFFFEE0]  }
0x2d: {  	v5 =	vld [tilespmem:s18+$0xFFFFFF60]  }
0x2e: {  	v6 =	vld [tilespmem:s18+$0xFFFFFFE0]  }
0x2f: {  	v7 =	vld [tilespmem:s18+$0x60]  }
0x30: {  	v2 =	vmax.f32 v2, v3;
	v3 =	vld [tilespmem:s18+$0xE0]  }
0x31: {  	v2 =	vmax.f32 v2, v4;
	v4 =	vld [tilespmem:s18+$0x160]  }
0x32: {  	v2 =	vmax.f32 v2, v5;
	v5 =	vld [tilespmem:s18+$0x1E0]  }
0x33: {  	v8 =	vld.idx.msk [tilespmem:v0+s19+$0xFFFFFFE0 ss:$0x1], $0xffff;
	v2 =	vmax.f32 v2, v6  }
0x34: {  	v2 =	vmax.f32 v2, v7  }
0x35: {  	v2 =	vmax.f32 v2, v3  }
0x36: {  	v2 =	vmax.f32 v2, v4  }
0x37: {  	v2 =	vmax.f32 v2, v5  }
0x38: {  	v2 =	vsub.f32 v2, v8;
	_ =	sdelay $0x1  }
0x39: {  	[tilespmem:v1+s19+$0xFFFFFFE0 ss:$0x1] =	vst.idx.msk $0xffff, v2  }
0x3a: {  	v2 =	vld [tilespmem:s18+$0xFFFFFDF0]  }
0x3b: {  	v3 =	vld [tilespmem:s18+$0xFFFFFE70]  }
0x3c: {  	v4 =	vld [tilespmem:s18+$0xFFFFFEF0]  }
0x3d: {  	v5 =	vld [tilespmem:s18+$0xFFFFFF70]  }
0x3e: {  	v6 =	vld [tilespmem:s18+$0xFFFFFFF0]  }
0x3f: {  	v7 =	vld [tilespmem:s18+$0x70]  }
0x40: {  	v8 =	vld [tilespmem:s18+$0xF0];
	v2 =	vmax.f32 v2, v3  }
0x41: {  	v3 =	vld [tilespmem:s18+$0x170];
	v2 =	vmax.f32 v2, v4  }
0x42: {  	v4 =	vld [tilespmem:s18+$0x1F0];
	v2 =	vmax.f32 v2, v5  }
0x43: {  	v5 =	vld.idx.msk [tilespmem:v0+s19+$0xFFFFFFF0 ss:$0x1], $0xffff;
	v2 =	vmax.f32 v2, v6  }
0x44: {  	v2 =	vmax.f32 v2, v7  }
0x45: {  	v2 =	vmax.f32 v2, v8  }
0x46: {  	v2 =	vmax.f32 v2, v3  }
0x47: {  	v2 =	vmax.f32 v2, v4  }
0x48: {  	v2 =	vsub.f32 v2, v5;
	_ =	sdelay $0x1  }
0x49: {  	[tilespmem:v1+s19+$0xFFFFFFF0 ss:$0x1] =	vst.idx.msk $0xffff, v2  }
0x4a: {  	v2 =	vld [tilespmem:s18+$0xFFFFFE80]  }
0x4b: {  	v3 =	vld [tilespmem:s18+$0xFFFFFE00]  }
0x4c: {  	v4 =	vld [tilespmem:s18+$0xFFFFFF00]  }
0x4d: {  	v5 =	vld [tilespmem:s18+$0xFFFFFF80]  }
0x4e: {  	v6 =	vld [tilespmem:s18+$0x0]  }
0x4f: {  	v7 =	vld [tilespmem:s18+$0x80]  }
0x50: {  	v8 =	vld [tilespmem:s18+$0x100];
	v2 =	vmax.f32 v3, v2  }
0x51: {  	v3 =	vld [tilespmem:s18+$0x180];
	v2 =	vmax.f32 v2, v4  }
0x52: {  	v4 =	vld [tilespmem:s18+$0x200];
	v2 =	vmax.f32 v2, v5  }
0x53: {  	v5 =	vld.idx.msk [tilespmem:v0+s19+$0x0 ss:$0x1], $0xffff;
	v2 =	vmax.f32 v2, v6  }
0x54: {  	v2 =	vmax.f32 v2, v7  }
0x55: {  	v2 =	vmax.f32 v2, v8  }
0x56: {  	v2 =	vmax.f32 v2, v3  }
0x57: {  	v2 =	vmax.f32 v2, v4  }
0x58: {  	v2 =	vsub.f32 v2, v5;
	_ =	sdelay $0x1  }
0x59: {  	[tilespmem:v1+s19+$0x0 ss:$0x1] =	vst.idx.msk $0xffff, v2  }
0x5a: {  	v2 =	vld [tilespmem:s18+$0xFFFFFE90]  }
0x5b: {  	v3 =	vld [tilespmem:s18+$0xFFFFFE10]  }
0x5c: {  	v4 =	vld [tilespmem:s18+$0xFFFFFF10]  }
0x5d: {  	v5 =	vld [tilespmem:s18+$0xFFFFFF90]  }
0x5e: {  	v6 =	vld [tilespmem:s18+$0x10]  }
0x5f: {  	v7 =	vld [tilespmem:s18+$0x90]  }
0x60: {  	v8 =	vld [tilespmem:s18+$0x110];
	v2 =	vmax.f32 v3, v2  }
0x61: {  	v3 =	vld [tilespmem:s18+$0x190];
	v2 =	vmax.f32 v2, v4  }
0x62: {  	v4 =	vld [tilespmem:s18+$0x210];
	v2 =	vmax.f32 v2, v5  }
0x63: {  	v5 =	vld.idx.msk [tilespmem:v0+s19+$0x10 ss:$0x1], $0xffff;
	v2 =	vmax.f32 v2, v6  }
0x64: {  	v2 =	vmax.f32 v2, v7  }
0x65: {  	v2 =	vmax.f32 v2, v8  }
0x66: {  	v2 =	vmax.f32 v2, v3  }
0x67: {  	v2 =	vmax.f32 v2, v4  }
0x68: {  	v2 =	vsub.f32 v2, v5;
	_ =	sdelay $0x1  }
0x69: {  	[tilespmem:v1+s19+$0x10 ss:$0x1] =	vst.idx.msk $0xffff, v2  }
0x6a: {  	v2 =	vld [tilespmem:s18+$0xFFFFFFA0]  }
0x6b: {  	v3 =	vld [tilespmem:s18+$0xFFFFFF20]  }
0x6c: {  	v7 =	vld [tilespmem:s18+$0xFFFFFE20]  }
0x6d: {  	v8 =	vld [tilespmem:s18+$0xFFFFFEA0]  }
0x6e: {  	v4 =	vld [tilespmem:s18+$0x20]  }
0x6f: {  	v5 =	vld [tilespmem:s18+$0xA0]  }
0x70: {  	s20 =	simm.s32 $0x200;
	s21 =	simm.s32 $0x19830;
	v6 =	vld [tilespmem:s18+$0x120]  }
.LBB2_3:
0x71: {  	p0 =	sne.s32 s20, $0xE00  }
0x72: {  	v9 =	vld [tilespmem:s18+$0x1A0];
	s21 =	sadd.s32 $0x480, s21;
	s22 =	smov.u32 s20;
	s20 =	sadd.s32 $0x200, s20  }
0x73: {  	v7 =	vmax.f32 v7, v8;
	v8 =	vld [tilespmem:s18+$0x220];
	s18 =	smov.u32 s21  }
0x74: {  	v3 =	vmax.f32 v7, v3;
	v7 =	vld.idx.msk [tilespmem:v0+s19+$0x20 ss:$0x1], $0xffff  }
0x75: {  	v2 =	vmax.f32 v3, v2  }
0x76: {  	v2 =	vmax.f32 v2, v4  }
0x77: {  	v2 =	vmax.f32 v2, v5  }
0x78: {  	v2 =	vmax.f32 v2, v6  }
0x79: {  	v2 =	vmax.f32 v2, v9  }
0x7a: {  	v2 =	vmax.f32 v2, v8  }
0x7b: {  	v2 =	vsub.f32 v2, v7;
	_ =	sdelay $0x1  }
0x7c: {  	[tilespmem:v1+s19+$0x20 ss:$0x1] =	vst.idx.msk $0xffff, v2;
	s19 =	sshra.s32 s22, $0x2  }
0x7d: {  	v2 =	vld.idx.msk [tilespmem:v0+s19+$0xFFFFFFD0 ss:$0x1], $0xffff  }
0x7e: {  	v3 =	vld [tilespmem:s21+$0xFFFFFDD0]  }
0x7f: {  	v4 =	vld [tilespmem:s21+$0xFFFFFE50]  }
0x80: {  	v5 =	vld [tilespmem:s21+$0xFFFFFED0]  }
0x81: {  	v6 =	vld [tilespmem:s21+$0xFFFFFF50]  }
0x82: {  	v7 =	vld [tilespmem:s21+$0xFFFFFFD0]  }
0x83: {  	v8 =	vld [tilespmem:s21+$0x50]  }
0x84: {  	v3 =	vmax.f32 v3, v4;
	v4 =	vld [tilespmem:s21+$0xD0]  }
0x85: {  	v3 =	vmax.f32 v3, v5;
	v5 =	vld [tilespmem:s21+$0x150]  }
0x86: {  	v3 =	vmax.f32 v3, v6;
	v6 =	vld [tilespmem:s21+$0x1D0]  }
0x87: {  	v3 =	vmax.f32 v3, v7  }
0x88: {  	v3 =	vmax.f32 v3, v8  }
0x89: {  	v3 =	vmax.f32 v3, v4  }
0x8a: {  	v3 =	vmax.f32 v3, v5  }
0x8b: {  	v3 =	vmax.f32 v3, v6  }
0x8c: {  	v2 =	vsub.f32 v3, v2;
	_ =	sdelay $0x1  }
0x8d: {  	[tilespmem:v1+s19+$0xFFFFFFD0 ss:$0x1] =	vst.idx.msk $0xffff, v2  }
0x8e: {  	v2 =	vld [tilespmem:s21+$0xFFFFFEE0]  }
0x8f: {  	v3 =	vld [tilespmem:s21+$0xFFFFFDE0]  }
0x90: {  	v4 =	vld [tilespmem:s21+$0xFFFFFE60]  }
0x91: {  	v5 =	vld.idx.msk [tilespmem:v0+s19+$0xFFFFFFE0 ss:$0x1], $0xffff  }
0x92: {  	v6 =	vld [tilespmem:s21+$0xFFFFFF60]  }
0x93: {  	v7 =	vld [tilespmem:s21+$0xFFFFFFE0]  }
0x94: {  	v8 =	vld [tilespmem:s21+$0x60]  }
0x95: {  	v3 =	vmax.f32 v3, v4;
	v4 =	vld [tilespmem:s21+$0xE0]  }
0x96: {  	v2 =	vmax.f32 v3, v2;
	v3 =	vld [tilespmem:s21+$0x160]  }
0x97: {  	v2 =	vmax.f32 v2, v6;
	v6 =	vld [tilespmem:s21+$0x1E0]  }
0x98: {  	v2 =	vmax.f32 v2, v7  }
0x99: {  	v2 =	vmax.f32 v2, v8  }
0x9a: {  	v2 =	vmax.f32 v2, v4  }
0x9b: {  	v2 =	vmax.f32 v2, v3  }
0x9c: {  	v2 =	vmax.f32 v2, v6  }
0x9d: {  	v2 =	vsub.f32 v2, v5;
	_ =	sdelay $0x1  }
0x9e: {  	[tilespmem:v1+s19+$0xFFFFFFE0 ss:$0x1] =	vst.idx.msk $0xffff, v2  }
0x9f: {  	v2 =	vld [tilespmem:s21+$0xFFFFFEF0]  }
0xa0: {  	v3 =	vld [tilespmem:s21+$0xFFFFFDF0]  }
0xa1: {  	v4 =	vld [tilespmem:s21+$0xFFFFFE70]  }
0xa2: {  	v5 =	vld [tilespmem:s21+$0xFFFFFF70]  }
0xa3: {  	v6 =	vld [tilespmem:s21+$0xFFFFFFF0]  }
0xa4: {  	v7 =	vld [tilespmem:s21+$0x70]  }
0xa5: {  	v8 =	vld [tilespmem:s21+$0xF0]  }
0xa6: {  	v3 =	vmax.f32 v3, v4;
	v4 =	vld [tilespmem:s21+$0x170]  }
0xa7: {  	v2 =	vmax.f32 v3, v2;
	v3 =	vld [tilespmem:s21+$0x1F0]  }
0xa8: {  	v2 =	vmax.f32 v2, v5;
	v5 =	vld.idx.msk [tilespmem:v0+s19+$0xFFFFFFF0 ss:$0x1], $0xffff  }
0xa9: {  	v2 =	vmax.f32 v2, v6  }
0xaa: {  	v2 =	vmax.f32 v2, v7  }
0xab: {  	v2 =	vmax.f32 v2, v8  }
0xac: {  	v2 =	vmax.f32 v2, v4  }
0xad: {  	v2 =	vmax.f32 v2, v3  }
0xae: {  	v2 =	vsub.f32 v2, v5;
	_ =	sdelay $0x1  }
0xaf: {  	[tilespmem:v1+s19+$0xFFFFFFF0 ss:$0x1] =	vst.idx.msk $0xffff, v2  }
0xb0: {  	v2 =	vld [tilespmem:s21+$0xFFFFFF00]  }
0xb1: {  	v3 =	vld [tilespmem:s21+$0xFFFFFE80]  }
0xb2: {  	v4 =	vld [tilespmem:s21+$0xFFFFFE00]  }
0xb3: {  	v5 =	vld [tilespmem:s21+$0xFFFFFF80]  }
0xb4: {  	v6 =	vld [tilespmem:s21+$0x0]  }
0xb5: {  	v7 =	vld [tilespmem:s21+$0x80]  }
0xb6: {  	v8 =	vld [tilespmem:s21+$0x100]  }
0xb7: {  	v3 =	vmax.f32 v4, v3;
	v4 =	vld [tilespmem:s21+$0x180]  }
0xb8: {  	v2 =	vmax.f32 v3, v2;
	v3 =	vld [tilespmem:s21+$0x200]  }
0xb9: {  	v2 =	vmax.f32 v2, v5;
	v5 =	vld.idx.msk [tilespmem:v0+s19+$0x0 ss:$0x1], $0xffff  }
0xba: {  	v2 =	vmax.f32 v2, v6  }
0xbb: {  	v2 =	vmax.f32 v2, v7  }
0xbc: {  	v2 =	vmax.f32 v2, v8  }
0xbd: {  	v2 =	vmax.f32 v2, v4  }
0xbe: {  	v2 =	vmax.f32 v2, v3  }
0xbf: {  	v2 =	vsub.f32 v2, v5;
	_ =	sdelay $0x1  }
0xc0: {  	[tilespmem:v1+s19+$0x0 ss:$0x1] =	vst.idx.msk $0xffff, v2  }
0xc1: {  	v2 =	vld [tilespmem:s21+$0xFFFFFF10]  }
0xc2: {  	v3 =	vld [tilespmem:s21+$0xFFFFFE90]  }
0xc3: {  	v4 =	vld [tilespmem:s21+$0xFFFFFE10]  }
0xc4: {  	v5 =	vld [tilespmem:s21+$0xFFFFFF90]  }
0xc5: {  	v6 =	vld [tilespmem:s21+$0x10]  }
0xc6: {  	v7 =	vld [tilespmem:s21+$0x90]  }
0xc7: {  	v8 =	vld [tilespmem:s21+$0x110]  }
0xc8: {  	v3 =	vmax.f32 v4, v3;
	v4 =	vld [tilespmem:s21+$0x190]  }
0xc9: {  	v2 =	vmax.f32 v3, v2;
	v3 =	vld [tilespmem:s21+$0x210]  }
0xca: {  	v2 =	vmax.f32 v2, v5;
	v5 =	vld.idx.msk [tilespmem:v0+s19+$0x10 ss:$0x1], $0xffff  }
0xcb: {  	v2 =	vmax.f32 v2, v6  }
0xcc: {  	v2 =	vmax.f32 v2, v7  }
0xcd: {  	v2 =	vmax.f32 v2, v8  }
0xce: {  	v2 =	vmax.f32 v2, v4  }
0xcf: {  	v2 =	vmax.f32 v2, v3  }
0xd0: {  	v2 =	vsub.f32 v2, v5;
	_ =	sdelay $0x1  }
0xd1: {  	[tilespmem:v1+s19+$0x10 ss:$0x1] =	vst.idx.msk $0xffff, v2  }
0xd2: {  	v2 =	vld [tilespmem:s21+$0xFFFFFFA0]  }
0xd3: {  	v3 =	vld [tilespmem:s21+$0xFFFFFF20]  }
.Ltmp0:
0xd4: {  	v7 =	vld [tilespmem:s21+$0xFFFFFE20];
	(pc) =	sbr.rel @p0 .LBB2_3-.Ltmp0, $4  }
0xd5: {  	v8 =	vld [tilespmem:s21+$0xFFFFFEA0]  }
0xd6: {  	v4 =	vld [tilespmem:s21+$0x20]  }
0xd7: {  	v5 =	vld [tilespmem:s21+$0xA0]  }
0xd8: {  	v6 =	vld [tilespmem:s21+$0x120]  }
0xd9: {  	_ = 	snop  }
0xda: {  	v7 =	vmax.f32 v7, v8  }
0xdb: {  	v62 =	vld [tilespmem:s18+$0x1A0];
	v3 =	vmax.f32 v7, v3  }
0xdc: {  	v63 =	vld [tilespmem:s18+$0x220];
	v2 =	vmax.f32 v3, v2  }
0xdd: {  	v0 =	vld.idx.msk [tilespmem:v0+s19+$0x20 ss:$0x1], $0xffff;
	v2 =	vmax.f32 v2, v4  }
0xde: {  	s17 =	sadd.s32 $0x1, s17;
	v2 =	vmax.f32 v2, v5  }
0xdf: {  	p0 =	sne.s32 s17, $0x31;
	v2 =	vmax.f32 v2, v6  }
.Ltmp1:
0xe0: {  	v2 =	vmax.f32 v2, v62;
	(pc) =	sbr.rel @p0 .LBB2_2-.Ltmp1, $3  }
0xe1: {  	v2 =	vmax.f32 v2, v63  }
0xe2: {  	v0 =	vsub.f32 v2, v0;
	_ =	sdelay $0x1  }
0xe3: {  	s15 =	sadd.s32 $0x400, s15;
	s16 =	sadd.s32 $0x400, s16;
	[tilespmem:v1+s19+$0x20 ss:$0x1] =	vst.idx.msk $0xffff, v0  }
0xe4: {  	s14 =	sadd.s32 $0x1, s14  }
0xe5: {  	p0 =	sne.s32 s14, s7  }
.Ltmp2:
0xe6: {  	_ = 	snop;
	(pc) =	sbr.rel @p0 .LBB2_1-.Ltmp2, $4  }
0xe7: {  	[hbm4b:s6+s3] =	stream.linear.scatter [tilespmem:s13], [sflag:$0x2], $0xC400, $0x38;
	[tilespmem:$0x1BA00] =	vst v63  }
0xe8: {  	_ =	swait.ge [sflag:s8], $0xC400  }
0xe9: {  	[sflag:s8] =	ssyncset.done $0x0  }
0xea: {  	[sflag:s8] =	ssyncadd.s32 $0xFFFF3C00  }
0xeb: {  	_ =	sfence.sel $0x180000  }
0xec: {  	[bflag:$0x0] =	sbarrier.arrive $0xFFFF  }
0xed: {  	p0 =	sne.s32 s0, $0x0;
	_ =	strace $0x90000047  }
0xee: {  	s0 =	sadd.s32 @!p0 $0x100000, s1;
	[bflag:$0x2] =	sbarrier.arrive $0xFFFF  }
0xef: {  	[sflag:s0] =	ssyncadd.tile.s32 @!p0 $0x1;
	_ =	shalt  }
.Lfunc_end2:
_tile_overlayer_lowered:
.L_overlay_start_2:
0xf0: {  	(tag) =	ssettag $0x2  }
0xf1: {  	s0 =	rddreg [dreg:$0x0];
	s2 =	stileid.u32  }
0xf2: {  	s1 =	rddreg [dreg:$0x1];
	p0 =	sne.s32 s2, $0x0  }
0xf3: {  	s3 =	rddreg [dreg:$0x2];
	[bflag:$0x3] =	sbarrier.arrive $0xFFFF;
	s2 =	simm.s32 @!p0 $0x1C02  }
0xf4: {  	[timem:s3], [sflag:s2] =	dma.local @!p0 [hbm:s0], s1  }
0xf5: {  	s0 =	simm.s32 @!p0 $0x2  }
0xf6: {  	_ =	swait.ge @!p0 [sflag:s0], s1  }
0xf7: {  	s1 =	ssub.s32 @!p0 $0x0, s1;
	[sflag:s0] =	ssyncset.done @!p0 $0x0  }
0xf8: {  	[sflag:s0] =	ssyncadd.s32 @!p0 s1  }
0xf9: {  	[bflag:$0x3] =	sbarrier.arrive $0xFFFF  }
0xfa: {  	_ =	shalt  }

</sc_bundles>
